<compile_context>
chip_gen: v7x
topology: tpu7x:2x2x1
jax: 0.10.2.dev20260603
libtpu: 0.0.44.dev20260713+nightly
codegen_flags: <defaults>
</compile_context>

<pallas_src>
import functools

import jax
import jax.numpy as jnp
from jax import lax
from jax.experimental import pallas as pl
from jax.experimental.pallas import tpu as pltpu
from jax.experimental.pallas import tpu_sc as plsc

DIM = 128
B = 1024
LOUT = 199
NW = 32
G = 64
CPL = B // G
NITEM = LOUT * CPL
IPW = 100
NBUF = 10
NROUND = IPW // NBUF


def _make_gather():
    mesh = plsc.VectorSubcoreMesh(core_axis_name="c", subcore_axis_name="s")

    @functools.partial(
        pl.kernel,
        mesh=mesh,
        out_type=jax.ShapeDtypeStruct((LOUT, B, DIM), jnp.float32),
        compiler_params=pltpu.CompilerParams(use_tc_tiling_on_sc=True),
        scratch_types=[
            pltpu.VMEM((IPW, G), jnp.int32),
        ]
        + [pltpu.VMEM((G, DIM), jnp.float32) for _ in range(NBUF)]
        + [pltpu.SemaphoreType.DMA for _ in range(2 * NBUF)],
    )
    def gather_kernel(idx_hbm, table_hbm, out_hbm, idx_v, *bufs_and_sems):
        bufs = bufs_and_sems[:NBUF]
        gsem = bufs_and_sems[NBUF : 2 * NBUF]
        ssem = bufs_and_sems[2 * NBUF :]
        wid = lax.axis_index("s") * 2 + lax.axis_index("c")
        pltpu.sync_copy(idx_hbm.at[wid], idx_v)

        def out_slab(j):
            g = wid * IPW + j
            item = jnp.where(g < NITEM, g, g - NITEM)
            return out_hbm.at[item >> 4, pl.ds((item & 15) * G, G)]

        def body(t, carry):
            for b in range(NBUF):
                j = t * NBUF + b

                @pl.when(t > 0)
                def _():
                    pltpu.make_async_copy(bufs[b], out_slab(j - NBUF), ssem[b]).wait()

                pltpu.async_copy(table_hbm.at[idx_v.at[j]], bufs[b], gsem[b])
            for b in range(NBUF):
                j = t * NBUF + b
                pltpu.make_async_copy(
                    table_hbm.at[idx_v.at[j]], bufs[b], gsem[b]
                ).wait()
                pltpu.async_copy(bufs[b], out_slab(j), ssem[b])
            return carry

        lax.fori_loop(0, NROUND, body, 0)
        for b in range(NBUF):
            pltpu.make_async_copy(bufs[b], out_slab((NROUND - 1) * NBUF + b), ssem[b]).wait()

    return gather_kernel


_gather = _make_gather()


def kernel(_, decoder_input_ids, probs):
    ids_t = decoder_input_ids[:, 1:].T.reshape(NITEM, G)
    idx = jnp.concatenate([ids_t, ids_t[: NW * IPW - NITEM]]).reshape(NW, IPW, G)
    out_t = _gather(idx, probs)
    return (out_t.transpose(1, 0, 2),)

# --- scband reference (transcript-rebuilt; emitter-appended) ---
"""Pipeline reference for scband-dummy-lm-85925115724197 (READ-ONLY COPY).

The authoritative reference and input builder live on the scoring server;
editing this copy changes nothing except your own understanding.
"""

import jax, jax.numpy as jnp
import numpy as np

VOCAB = 100000
DIM = 128
B = 1024
L = 200


def setup_inputs(seed: int = 0) -> dict:
    key = jax.random.key(seed)
    k1, k2 = jax.random.split(key)
    probs = jax.random.normal(k1, (VOCAB, DIM), dtype=jnp.float32)
    decoder_input_ids = jax.random.randint(k2, (B, L), 0, VOCAB, dtype=jnp.int32)
    placeholder = jnp.zeros((1,), dtype=jnp.float32)
    return {"_": placeholder, "decoder_input_ids": decoder_input_ids, "probs": probs}


def reference(_, decoder_input_ids, probs):
    # out = self.probs[decoder_input_ids]
    out = jnp.take(probs, decoder_input_ids, axis=0)
    # ret = out[:, 1:]
    ret = out[:, 1:]
    return (ret,)

if __name__ == "__main__":
    import jax
    _d = setup_inputs()
    print(jax.jit(kernel)(*tuple(_d.values())))

</pallas_src>

<mosaic_0001>
#map = affine_map<(d0, d1) -> (0, 0, 0)>
#map1 = affine_map<(d0, d1) -> (0, 0)>
module attributes {stable_mosaic.version = 14 : i64} {
  func.func @gather_kernel(%arg0: i32, %arg1: i32, %arg2: memref<32x100x64xi32, #tpu.memory_space<hbm>>, %arg3: memref<100000x128xf32, #tpu.memory_space<hbm>>, %arg4: memref<199x1024x128xf32, #tpu.memory_space<hbm>>, %arg5: memref<100x64xi32, #tpu.memory_space<vmem>>, %arg6: memref<64x128xf32, #tpu.memory_space<vmem>>, %arg7: memref<64x128xf32, #tpu.memory_space<vmem>>, %arg8: memref<64x128xf32, #tpu.memory_space<vmem>>, %arg9: memref<64x128xf32, #tpu.memory_space<vmem>>, %arg10: memref<64x128xf32, #tpu.memory_space<vmem>>, %arg11: memref<64x128xf32, #tpu.memory_space<vmem>>, %arg12: memref<64x128xf32, #tpu.memory_space<vmem>>, %arg13: memref<64x128xf32, #tpu.memory_space<vmem>>, %arg14: memref<64x128xf32, #tpu.memory_space<vmem>>, %arg15: memref<64x128xf32, #tpu.memory_space<vmem>>, %arg16: memref<!tpu.dma_semaphore, #tpu.memory_space<semaphore_mem>>, %arg17: memref<!tpu.dma_semaphore, #tpu.memory_space<semaphore_mem>>, %arg18: memref<!tpu.dma_semaphore, #tpu.memory_space<semaphore_mem>>, %arg19: memref<!tpu.dma_semaphore, #tpu.memory_space<semaphore_mem>>, %arg20: memref<!tpu.dma_semaphore, #tpu.memory_space<semaphore_mem>>, %arg21: memref<!tpu.dma_semaphore, #tpu.memory_space<semaphore_mem>>, %arg22: memref<!tpu.dma_semaphore, #tpu.memory_space<semaphore_mem>>, %arg23: memref<!tpu.dma_semaphore, #tpu.memory_space<semaphore_mem>>, %arg24: memref<!tpu.dma_semaphore, #tpu.memory_space<semaphore_mem>>, %arg25: memref<!tpu.dma_semaphore, #tpu.memory_space<semaphore_mem>>, %arg26: memref<!tpu.dma_semaphore, #tpu.memory_space<semaphore_mem>>, %arg27: memref<!tpu.dma_semaphore, #tpu.memory_space<semaphore_mem>>, %arg28: memref<!tpu.dma_semaphore, #tpu.memory_space<semaphore_mem>>, %arg29: memref<!tpu.dma_semaphore, #tpu.memory_space<semaphore_mem>>, %arg30: memref<!tpu.dma_semaphore, #tpu.memory_space<semaphore_mem>>, %arg31: memref<!tpu.dma_semaphore, #tpu.memory_space<semaphore_mem>>, %arg32: memref<!tpu.dma_semaphore, #tpu.memory_space<semaphore_mem>>, %arg33: memref<!tpu.dma_semaphore, #tpu.memory_space<semaphore_mem>>, %arg34: memref<!tpu.dma_semaphore, #tpu.memory_space<semaphore_mem>>, %arg35: memref<!tpu.dma_semaphore, #tpu.memory_space<semaphore_mem>>) attributes {dimension_semantics = [#tpu.dimension_semantics<core_parallel>, #tpu.dimension_semantics<subcore_parallel>], iteration_bounds = array<i64: 2, 16>, scalar_prefetch = 0 : i64, scratch_operands = 31 : i64, tpu.core_type = #tpu.core_type<sc_vector_subcore>, window_params = [{transform_indices = #map}, {transform_indices = #map1}, {transform_indices = #map}]} {
    %mul3A = arith.constant 2 : i32
    %mul3A_0 = arith.muli %arg1, %mul3A : i32
    %add3A = arith.addi %mul3A_0, %arg0 : i32
    "tpu.region"() ({
      %run_scoped3A = tpu.sem_alloc : memref<!tpu.dma_semaphore, #tpu.memory_space<semaphore_mem>>
      %dma_start3A = arith.constant 0 : i32
      %dma_start3A_210 = arith.constant 0 : i32
      %dma_start3A_211 = tpu.memref_slice %arg2[%add3A, %dma_start3A, %dma_start3A_210] : memref<32x100x64xi32, #tpu.memory_space<hbm>> -> memref<1x100x64xi32, #tpu.memory_space<hbm>>
      %dma_start3A_212 = tpu.memref_squeeze %dma_start3A_211 : memref<1x100x64xi32, #tpu.memory_space<hbm>> -> memref<100x64xi32, #tpu.memory_space<hbm>>
      %dma_start3A_213 = arith.constant 0 : i32
      %dma_start3A_214 = arith.constant 0 : i32
      %dma_start3A_215 = tpu.memref_slice %arg2[%add3A, %dma_start3A_213, %dma_start3A_214] : memref<32x100x64xi32, #tpu.memory_space<hbm>> -> memref<1x100x64xi32, #tpu.memory_space<hbm>>
      %dma_start3A_216 = tpu.memref_squeeze %dma_start3A_215 : memref<1x100x64xi32, #tpu.memory_space<hbm>> -> memref<100x64xi32, #tpu.memory_space<hbm>>
      tpu.enqueue_dma source(%dma_start3A_216 : memref<100x64xi32, #tpu.memory_space<hbm>>) target(%arg5 : memref<100x64xi32, #tpu.memory_space<vmem>>) target_semaphore(%run_scoped3A : memref<!tpu.dma_semaphore, #tpu.memory_space<semaphore_mem>>)
      %dma_wait3A_217 = arith.constant 0 : i32
      %dma_wait3A_218 = arith.constant 0 : i32
      %dma_wait3A_219 = tpu.memref_slice %arg2[%add3A, %dma_wait3A_217, %dma_wait3A_218] : memref<32x100x64xi32, #tpu.memory_space<hbm>> -> memref<1x100x64xi32, #tpu.memory_space<hbm>>
      %dma_wait3A_220 = tpu.memref_squeeze %dma_wait3A_219 : memref<1x100x64xi32, #tpu.memory_space<hbm>> -> memref<100x64xi32, #tpu.memory_space<hbm>>
      %dma_wait3A_221 = arith.constant 0 : i32
      %dma_wait3A_222 = arith.constant 0 : i32
      %dma_wait3A_223 = tpu.memref_slice %arg2[%add3A, %dma_wait3A_221, %dma_wait3A_222] : memref<32x100x64xi32, #tpu.memory_space<hbm>> -> memref<1x100x64xi32, #tpu.memory_space<hbm>>
      %dma_wait3A_224 = tpu.memref_squeeze %dma_wait3A_223 : memref<1x100x64xi32, #tpu.memory_space<hbm>> -> memref<100x64xi32, #tpu.memory_space<hbm>>
      tpu.wait_dma2 semaphore(%run_scoped3A : memref<!tpu.dma_semaphore, #tpu.memory_space<semaphore_mem>>) src(%dma_wait3A_224 : memref<100x64xi32, #tpu.memory_space<hbm>>) dst(%arg5 : memref<100x64xi32, #tpu.memory_space<vmem>>)
      tpu.yield
    }) : () -> ()
    %scan3A = arith.constant 0 : i32
    %scan3A_1 = arith.constant 0 : i32
    %scan3A_2 = arith.constant 10 : i32
    %scan3A_3 = arith.addi %scan3A_1, %scan3A_2 : i32
    %scan3A_4 = arith.constant 1 : i32
    scf.for %scan3A_210 = %scan3A_1 to %scan3A_3 step %scan3A_4  : i32 {
      %mul3A_211 = arith.constant 10 : i32
      %mul3A_212 = arith.muli %scan3A_210, %mul3A_211 : i32
      %add3A_213 = arith.constant 0 : i32
      %add3A_214 = arith.addi %mul3A_212, %add3A_213 : i32
      %gt3A = arith.constant 0 : i32
      %gt3A_215 = arith.cmpi sgt, %scan3A_210, %gt3A : i32
      %convert_element_type3A = arith.extui %gt3A_215 : i1 to i32
      %cond3A = arith.constant 0 : i32
      %cond3A_216 = arith.cmpi ne, %convert_element_type3A, %cond3A : i32
      scf.if %cond3A_216 {
        %sub3A_657 = arith.constant 10 : i32
        %sub3A_658 = arith.subi %add3A_214, %sub3A_657 : i32
        %mul3A_659 = arith.constant 100 : i32
        %mul3A_660 = arith.muli %add3A, %mul3A_659 : i32
        %add3A_661 = arith.addi %mul3A_660, %sub3A_658 : i32
        %lt3A_662 = arith.constant 3184 : i32
        %lt3A_663 = arith.cmpi slt, %add3A_661, %lt3A_662 : i32
        %sub3A_664 = arith.constant 3184 : i32
        %sub3A_665 = arith.subi %add3A_661, %sub3A_664 : i32
        %select_n3A_666 = arith.select %lt3A_663, %add3A_661, %sub3A_665 : i32
        %shift_right_arithmetic3A_667 = arith.constant 4 : i32
        %shift_right_arithmetic3A_668 = arith.shrsi %select_n3A_666, %shift_right_arithmetic3A_667 : i32
        %and3A_669 = arith.constant 15 : i32
        %and3A_670 = arith.andi %select_n3A_666, %and3A_669 : i32
        %mul3A_671 = arith.constant 64 : i32
        %mul3A_672 = arith.muli %and3A_670, %mul3A_671 : i32
        %dma_wait3A_673 = arith.constant 0 : i32
        %dma_wait3A_674 = tpu.memref_slice %arg4[%shift_right_arithmetic3A_668, %mul3A_672, %dma_wait3A_673] : memref<199x1024x128xf32, #tpu.memory_space<hbm>> -> memref<1x64x128xf32, #tpu.memory_space<hbm>>
        %dma_wait3A_675 = tpu.memref_squeeze %dma_wait3A_674 : memref<1x64x128xf32, #tpu.memory_space<hbm>> -> memref<64x128xf32, #tpu.memory_space<hbm>>
        %dma_wait3A_676 = arith.constant 0 : i32
        %dma_wait3A_677 = tpu.memref_slice %arg4[%shift_right_arithmetic3A_668, %mul3A_672, %dma_wait3A_676] : memref<199x1024x128xf32, #tpu.memory_space<hbm>> -> memref<1x64x128xf32, #tpu.memory_space<hbm>>
        %dma_wait3A_678 = tpu.memref_squeeze %dma_wait3A_677 : memref<1x64x128xf32, #tpu.memory_space<hbm>> -> memref<64x128xf32, #tpu.memory_space<hbm>>
        tpu.wait_dma2 semaphore(%arg26 : memref<!tpu.dma_semaphore, #tpu.memory_space<semaphore_mem>>) src(%arg6 : memref<64x128xf32, #tpu.memory_space<vmem>>) dst(%dma_wait3A_678 : memref<64x128xf32, #tpu.memory_space<hbm>>)
      } else {
      }
      %dma_start3A = arith.constant 0 : i32
      %dma_start3A_217 = tpu.memref_slice %arg5[%add3A_214, %dma_start3A] : memref<100x64xi32, #tpu.memory_space<vmem>> -> memref<1x64xi32, #tpu.memory_space<vmem>>
      %dma_start3A_218 = tpu.memref_squeeze %dma_start3A_217 : memref<1x64xi32, #tpu.memory_space<vmem>> -> memref<64xi32, #tpu.memory_space<vmem>>
      %dma_start3A_219 = arith.constant 0 : i32
      %dma_start3A_220 = arith.constant 0 : i32
      %dma_start3A_221 = tpu.memref_slice %arg3[%dma_start3A_219, %dma_start3A_220] : memref<100000x128xf32, #tpu.memory_space<hbm>> -> memref<100000x128xf32, #tpu.memory_space<hbm>>
      tpu.enqueue_indirect_dma source(%dma_start3A_221 : memref<100000x128xf32, #tpu.memory_space<hbm>>) target(%arg6 : memref<64x128xf32, #tpu.memory_space<vmem>>) offsets(%dma_start3A_218 : memref<64xi32, #tpu.memory_space<vmem>>) semaphore(%arg16 : memref<!tpu.dma_semaphore, #tpu.memory_space<semaphore_mem>>)
      %mul3A_222 = arith.constant 10 : i32
      %mul3A_223 = arith.muli %scan3A_210, %mul3A_222 : i32
      %add3A_224 = arith.constant 1 : i32
      %add3A_225 = arith.addi %mul3A_223, %add3A_224 : i32
      %gt3A_226 = arith.constant 0 : i32
      %gt3A_227 = arith.cmpi sgt, %scan3A_210, %gt3A_226 : i32
      %convert_element_type3A_228 = arith.extui %gt3A_227 : i1 to i32
      %cond3A_229 = arith.constant 0 : i32
      %cond3A_230 = arith.cmpi ne, %convert_element_type3A_228, %cond3A_229 : i32
      scf.if %cond3A_230 {
        %sub3A_657 = arith.constant 10 : i32
        %sub3A_658 = arith.subi %add3A_225, %sub3A_657 : i32
        %mul3A_659 = arith.constant 100 : i32
        %mul3A_660 = arith.muli %add3A, %mul3A_659 : i32
        %add3A_661 = arith.addi %mul3A_660, %sub3A_658 : i32
        %lt3A_662 = arith.constant 3184 : i32
        %lt3A_663 = arith.cmpi slt, %add3A_661, %lt3A_662 : i32
        %sub3A_664 = arith.constant 3184 : i32
        %sub3A_665 = arith.subi %add3A_661, %sub3A_664 : i32
        %select_n3A_666 = arith.select %lt3A_663, %add3A_661, %sub3A_665 : i32
        %shift_right_arithmetic3A_667 = arith.constant 4 : i32
        %shift_right_arithmetic3A_668 = arith.shrsi %select_n3A_666, %shift_right_arithmetic3A_667 : i32
        %and3A_669 = arith.constant 15 : i32
        %and3A_670 = arith.andi %select_n3A_666, %and3A_669 : i32
        %mul3A_671 = arith.constant 64 : i32
        %mul3A_672 = arith.muli %and3A_670, %mul3A_671 : i32
        %dma_wait3A_673 = arith.constant 0 : i32
        %dma_wait3A_674 = tpu.memref_slice %arg4[%shift_right_arithmetic3A_668, %mul3A_672, %dma_wait3A_673] : memref<199x1024x128xf32, #tpu.memory_space<hbm>> -> memref<1x64x128xf32, #tpu.memory_space<hbm>>
        %dma_wait3A_675 = tpu.memref_squeeze %dma_wait3A_674 : memref<1x64x128xf32, #tpu.memory_space<hbm>> -> memref<64x128xf32, #tpu.memory_space<hbm>>
        %dma_wait3A_676 = arith.constant 0 : i32
        %dma_wait3A_677 = tpu.memref_slice %arg4[%shift_right_arithmetic3A_668, %mul3A_672, %dma_wait3A_676] : memref<199x1024x128xf32, #tpu.memory_space<hbm>> -> memref<1x64x128xf32, #tpu.memory_space<hbm>>
        %dma_wait3A_678 = tpu.memref_squeeze %dma_wait3A_677 : memref<1x64x128xf32, #tpu.memory_space<hbm>> -> memref<64x128xf32, #tpu.memory_space<hbm>>
        tpu.wait_dma2 semaphore(%arg27 : memref<!tpu.dma_semaphore, #tpu.memory_space<semaphore_mem>>) src(%arg7 : memref<64x128xf32, #tpu.memory_space<vmem>>) dst(%dma_wait3A_678 : memref<64x128xf32, #tpu.memory_space<hbm>>)
      } else {
      }
      %dma_start3A_231 = arith.constant 0 : i32
      %dma_start3A_232 = tpu.memref_slice %arg5[%add3A_225, %dma_start3A_231] : memref<100x64xi32, #tpu.memory_space<vmem>> -> memref<1x64xi32, #tpu.memory_space<vmem>>
      %dma_start3A_233 = tpu.memref_squeeze %dma_start3A_232 : memref<1x64xi32, #tpu.memory_space<vmem>> -> memref<64xi32, #tpu.memory_space<vmem>>
      %dma_start3A_234 = arith.constant 0 : i32
      %dma_start3A_235 = arith.constant 0 : i32
      %dma_start3A_236 = tpu.memref_slice %arg3[%dma_start3A_234, %dma_start3A_235] : memref<100000x128xf32, #tpu.memory_space<hbm>> -> memref<100000x128xf32, #tpu.memory_space<hbm>>
      tpu.enqueue_indirect_dma source(%dma_start3A_236 : memref<100000x128xf32, #tpu.memory_space<hbm>>) target(%arg7 : memref<64x128xf32, #tpu.memory_space<vmem>>) offsets(%dma_start3A_233 : memref<64xi32, #tpu.memory_space<vmem>>) semaphore(%arg17 : memref<!tpu.dma_semaphore, #tpu.memory_space<semaphore_mem>>)
      %mul3A_237 = arith.constant 10 : i32
      %mul3A_238 = arith.muli %scan3A_210, %mul3A_237 : i32
      %add3A_239 = arith.constant 2 : i32
      %add3A_240 = arith.addi %mul3A_238, %add3A_239 : i32
      %gt3A_241 = arith.constant 0 : i32
      %gt3A_242 = arith.cmpi sgt, %scan3A_210, %gt3A_241 : i32
      %convert_element_type3A_243 = arith.extui %gt3A_242 : i1 to i32
      %cond3A_244 = arith.constant 0 : i32
      %cond3A_245 = arith.cmpi ne, %convert_element_type3A_243, %cond3A_244 : i32
      scf.if %cond3A_245 {
        %sub3A_657 = arith.constant 10 : i32
        %sub3A_658 = arith.subi %add3A_240, %sub3A_657 : i32
        %mul3A_659 = arith.constant 100 : i32
        %mul3A_660 = arith.muli %add3A, %mul3A_659 : i32
        %add3A_661 = arith.addi %mul3A_660, %sub3A_658 : i32
        %lt3A_662 = arith.constant 3184 : i32
        %lt3A_663 = arith.cmpi slt, %add3A_661, %lt3A_662 : i32
        %sub3A_664 = arith.constant 3184 : i32
        %sub3A_665 = arith.subi %add3A_661, %sub3A_664 : i32
        %select_n3A_666 = arith.select %lt3A_663, %add3A_661, %sub3A_665 : i32
        %shift_right_arithmetic3A_667 = arith.constant 4 : i32
        %shift_right_arithmetic3A_668 = arith.shrsi %select_n3A_666, %shift_right_arithmetic3A_667 : i32
        %and3A_669 = arith.constant 15 : i32
        %and3A_670 = arith.andi %select_n3A_666, %and3A_669 : i32
        %mul3A_671 = arith.constant 64 : i32
        %mul3A_672 = arith.muli %and3A_670, %mul3A_671 : i32
        %dma_wait3A_673 = arith.constant 0 : i32
        %dma_wait3A_674 = tpu.memref_slice %arg4[%shift_right_arithmetic3A_668, %mul3A_672, %dma_wait3A_673] : memref<199x1024x128xf32, #tpu.memory_space<hbm>> -> memref<1x64x128xf32, #tpu.memory_space<hbm>>
        %dma_wait3A_675 = tpu.memref_squeeze %dma_wait3A_674 : memref<1x64x128xf32, #tpu.memory_space<hbm>> -> memref<64x128xf32, #tpu.memory_space<hbm>>
        %dma_wait3A_676 = arith.constant 0 : i32
        %dma_wait3A_677 = tpu.memref_slice %arg4[%shift_right_arithmetic3A_668, %mul3A_672, %dma_wait3A_676] : memref<199x1024x128xf32, #tpu.memory_space<hbm>> -> memref<1x64x128xf32, #tpu.memory_space<hbm>>
        %dma_wait3A_678 = tpu.memref_squeeze %dma_wait3A_677 : memref<1x64x128xf32, #tpu.memory_space<hbm>> -> memref<64x128xf32, #tpu.memory_space<hbm>>
        tpu.wait_dma2 semaphore(%arg28 : memref<!tpu.dma_semaphore, #tpu.memory_space<semaphore_mem>>) src(%arg8 : memref<64x128xf32, #tpu.memory_space<vmem>>) dst(%dma_wait3A_678 : memref<64x128xf32, #tpu.memory_space<hbm>>)
      } else {
      }
      %dma_start3A_246 = arith.constant 0 : i32
      %dma_start3A_247 = tpu.memref_slice %arg5[%add3A_240, %dma_start3A_246] : memref<100x64xi32, #tpu.memory_space<vmem>> -> memref<1x64xi32, #tpu.memory_space<vmem>>
      %dma_start3A_248 = tpu.memref_squeeze %dma_start3A_247 : memref<1x64xi32, #tpu.memory_space<vmem>> -> memref<64xi32, #tpu.memory_space<vmem>>
      %dma_start3A_249 = arith.constant 0 : i32
      %dma_start3A_250 = arith.constant 0 : i32
      %dma_start3A_251 = tpu.memref_slice %arg3[%dma_start3A_249, %dma_start3A_250] : memref<100000x128xf32, #tpu.memory_space<hbm>> -> memref<100000x128xf32, #tpu.memory_space<hbm>>
      tpu.enqueue_indirect_dma source(%dma_start3A_251 : memref<100000x128xf32, #tpu.memory_space<hbm>>) target(%arg8 : memref<64x128xf32, #tpu.memory_space<vmem>>) offsets(%dma_start3A_248 : memref<64xi32, #tpu.memory_space<vmem>>) semaphore(%arg18 : memref<!tpu.dma_semaphore, #tpu.memory_space<semaphore_mem>>)
      %mul3A_252 = arith.constant 10 : i32
      %mul3A_253 = arith.muli %scan3A_210, %mul3A_252 : i32
      %add3A_254 = arith.constant 3 : i32
      %add3A_255 = arith.addi %mul3A_253, %add3A_254 : i32
      %gt3A_256 = arith.constant 0 : i32
      %gt3A_257 = arith.cmpi sgt, %scan3A_210, %gt3A_256 : i32
      %convert_element_type3A_258 = arith.extui %gt3A_257 : i1 to i32
      %cond3A_259 = arith.constant 0 : i32
      %cond3A_260 = arith.cmpi ne, %convert_element_type3A_258, %cond3A_259 : i32
      scf.if %cond3A_260 {
        %sub3A_657 = arith.constant 10 : i32
        %sub3A_658 = arith.subi %add3A_255, %sub3A_657 : i32
        %mul3A_659 = arith.constant 100 : i32
        %mul3A_660 = arith.muli %add3A, %mul3A_659 : i32
        %add3A_661 = arith.addi %mul3A_660, %sub3A_658 : i32
        %lt3A_662 = arith.constant 3184 : i32
        %lt3A_663 = arith.cmpi slt, %add3A_661, %lt3A_662 : i32
        %sub3A_664 = arith.constant 3184 : i32
        %sub3A_665 = arith.subi %add3A_661, %sub3A_664 : i32
        %select_n3A_666 = arith.select %lt3A_663, %add3A_661, %sub3A_665 : i32
        %shift_right_arithmetic3A_667 = arith.constant 4 : i32
        %shift_right_arithmetic3A_668 = arith.shrsi %select_n3A_666, %shift_right_arithmetic3A_667 : i32
        %and3A_669 = arith.constant 15 : i32
        %and3A_670 = arith.andi %select_n3A_666, %and3A_669 : i32
        %mul3A_671 = arith.constant 64 : i32
        %mul3A_672 = arith.muli %and3A_670, %mul3A_671 : i32
        %dma_wait3A_673 = arith.constant 0 : i32
        %dma_wait3A_674 = tpu.memref_slice %arg4[%shift_right_arithmetic3A_668, %mul3A_672, %dma_wait3A_673] : memref<199x1024x128xf32, #tpu.memory_space<hbm>> -> memref<1x64x128xf32, #tpu.memory_space<hbm>>
        %dma_wait3A_675 = tpu.memref_squeeze %dma_wait3A_674 : memref<1x64x128xf32, #tpu.memory_space<hbm>> -> memref<64x128xf32, #tpu.memory_space<hbm>>
        %dma_wait3A_676 = arith.constant 0 : i32
        %dma_wait3A_677 = tpu.memref_slice %arg4[%shift_right_arithmetic3A_668, %mul3A_672, %dma_wait3A_676] : memref<199x1024x128xf32, #tpu.memory_space<hbm>> -> memref<1x64x128xf32, #tpu.memory_space<hbm>>
        %dma_wait3A_678 = tpu.memref_squeeze %dma_wait3A_677 : memref<1x64x128xf32, #tpu.memory_space<hbm>> -> memref<64x128xf32, #tpu.memory_space<hbm>>
        tpu.wait_dma2 semaphore(%arg29 : memref<!tpu.dma_semaphore, #tpu.memory_space<semaphore_mem>>) src(%arg9 : memref<64x128xf32, #tpu.memory_space<vmem>>) dst(%dma_wait3A_678 : memref<64x128xf32, #tpu.memory_space<hbm>>)
      } else {
      }
      %dma_start3A_261 = arith.constant 0 : i32
      %dma_start3A_262 = tpu.memref_slice %arg5[%add3A_255, %dma_start3A_261] : memref<100x64xi32, #tpu.memory_space<vmem>> -> memref<1x64xi32, #tpu.memory_space<vmem>>
      %dma_start3A_263 = tpu.memref_squeeze %dma_start3A_262 : memref<1x64xi32, #tpu.memory_space<vmem>> -> memref<64xi32, #tpu.memory_space<vmem>>
      %dma_start3A_264 = arith.constant 0 : i32
      %dma_start3A_265 = arith.constant 0 : i32
      %dma_start3A_266 = tpu.memref_slice %arg3[%dma_start3A_264, %dma_start3A_265] : memref<100000x128xf32, #tpu.memory_space<hbm>> -> memref<100000x128xf32, #tpu.memory_space<hbm>>
      tpu.enqueue_indirect_dma source(%dma_start3A_266 : memref<100000x128xf32, #tpu.memory_space<hbm>>) target(%arg9 : memref<64x128xf32, #tpu.memory_space<vmem>>) offsets(%dma_start3A_263 : memref<64xi32, #tpu.memory_space<vmem>>) semaphore(%arg19 : memref<!tpu.dma_semaphore, #tpu.memory_space<semaphore_mem>>)
      %mul3A_267 = arith.constant 10 : i32
      %mul3A_268 = arith.muli %scan3A_210, %mul3A_267 : i32
      %add3A_269 = arith.constant 4 : i32
      %add3A_270 = arith.addi %mul3A_268, %add3A_269 : i32
      %gt3A_271 = arith.constant 0 : i32
      %gt3A_272 = arith.cmpi sgt, %scan3A_210, %gt3A_271 : i32
      %convert_element_type3A_273 = arith.extui %gt3A_272 : i1 to i32
      %cond3A_274 = arith.constant 0 : i32
      %cond3A_275 = arith.cmpi ne, %convert_element_type3A_273, %cond3A_274 : i32
      scf.if %cond3A_275 {
        %sub3A_657 = arith.constant 10 : i32
        %sub3A_658 = arith.subi %add3A_270, %sub3A_657 : i32
        %mul3A_659 = arith.constant 100 : i32
        %mul3A_660 = arith.muli %add3A, %mul3A_659 : i32
        %add3A_661 = arith.addi %mul3A_660, %sub3A_658 : i32
        %lt3A_662 = arith.constant 3184 : i32
        %lt3A_663 = arith.cmpi slt, %add3A_661, %lt3A_662 : i32
        %sub3A_664 = arith.constant 3184 : i32
        %sub3A_665 = arith.subi %add3A_661, %sub3A_664 : i32
        %select_n3A_666 = arith.select %lt3A_663, %add3A_661, %sub3A_665 : i32
        %shift_right_arithmetic3A_667 = arith.constant 4 : i32
        %shift_right_arithmetic3A_668 = arith.shrsi %select_n3A_666, %shift_right_arithmetic3A_667 : i32
        %and3A_669 = arith.constant 15 : i32
        %and3A_670 = arith.andi %select_n3A_666, %and3A_669 : i32
        %mul3A_671 = arith.constant 64 : i32
        %mul3A_672 = arith.muli %and3A_670, %mul3A_671 : i32
        %dma_wait3A_673 = arith.constant 0 : i32
        %dma_wait3A_674 = tpu.memref_slice %arg4[%shift_right_arithmetic3A_668, %mul3A_672, %dma_wait3A_673] : memref<199x1024x128xf32, #tpu.memory_space<hbm>> -> memref<1x64x128xf32, #tpu.memory_space<hbm>>
        %dma_wait3A_675 = tpu.memref_squeeze %dma_wait3A_674 : memref<1x64x128xf32, #tpu.memory_space<hbm>> -> memref<64x128xf32, #tpu.memory_space<hbm>>
        %dma_wait3A_676 = arith.constant 0 : i32
        %dma_wait3A_677 = tpu.memref_slice %arg4[%shift_right_arithmetic3A_668, %mul3A_672, %dma_wait3A_676] : memref<199x1024x128xf32, #tpu.memory_space<hbm>> -> memref<1x64x128xf32, #tpu.memory_space<hbm>>
        %dma_wait3A_678 = tpu.memref_squeeze %dma_wait3A_677 : memref<1x64x128xf32, #tpu.memory_space<hbm>> -> memref<64x128xf32, #tpu.memory_space<hbm>>
        tpu.wait_dma2 semaphore(%arg30 : memref<!tpu.dma_semaphore, #tpu.memory_space<semaphore_mem>>) src(%arg10 : memref<64x128xf32, #tpu.memory_space<vmem>>) dst(%dma_wait3A_678 : memref<64x128xf32, #tpu.memory_space<hbm>>)
      } else {
      }
      %dma_start3A_276 = arith.constant 0 : i32
      %dma_start3A_277 = tpu.memref_slice %arg5[%add3A_270, %dma_start3A_276] : memref<100x64xi32, #tpu.memory_space<vmem>> -> memref<1x64xi32, #tpu.memory_space<vmem>>
      %dma_start3A_278 = tpu.memref_squeeze %dma_start3A_277 : memref<1x64xi32, #tpu.memory_space<vmem>> -> memref<64xi32, #tpu.memory_space<vmem>>
      %dma_start3A_279 = arith.constant 0 : i32
      %dma_start3A_280 = arith.constant 0 : i32
      %dma_start3A_281 = tpu.memref_slice %arg3[%dma_start3A_279, %dma_start3A_280] : memref<100000x128xf32, #tpu.memory_space<hbm>> -> memref<100000x128xf32, #tpu.memory_space<hbm>>
      tpu.enqueue_indirect_dma source(%dma_start3A_281 : memref<100000x128xf32, #tpu.memory_space<hbm>>) target(%arg10 : memref<64x128xf32, #tpu.memory_space<vmem>>) offsets(%dma_start3A_278 : memref<64xi32, #tpu.memory_space<vmem>>) semaphore(%arg20 : memref<!tpu.dma_semaphore, #tpu.memory_space<semaphore_mem>>)
      %mul3A_282 = arith.constant 10 : i32
      %mul3A_283 = arith.muli %scan3A_210, %mul3A_282 : i32
      %add3A_284 = arith.constant 5 : i32
      %add3A_285 = arith.addi %mul3A_283, %add3A_284 : i32
      %gt3A_286 = arith.constant 0 : i32
      %gt3A_287 = arith.cmpi sgt, %scan3A_210, %gt3A_286 : i32
      %convert_element_type3A_288 = arith.extui %gt3A_287 : i1 to i32
      %cond3A_289 = arith.constant 0 : i32
      %cond3A_290 = arith.cmpi ne, %convert_element_type3A_288, %cond3A_289 : i32
      scf.if %cond3A_290 {
        %sub3A_657 = arith.constant 10 : i32
        %sub3A_658 = arith.subi %add3A_285, %sub3A_657 : i32
        %mul3A_659 = arith.constant 100 : i32
        %mul3A_660 = arith.muli %add3A, %mul3A_659 : i32
        %add3A_661 = arith.addi %mul3A_660, %sub3A_658 : i32
        %lt3A_662 = arith.constant 3184 : i32
        %lt3A_663 = arith.cmpi slt, %add3A_661, %lt3A_662 : i32
        %sub3A_664 = arith.constant 3184 : i32
        %sub3A_665 = arith.subi %add3A_661, %sub3A_664 : i32
        %select_n3A_666 = arith.select %lt3A_663, %add3A_661, %sub3A_665 : i32
        %shift_right_arithmetic3A_667 = arith.constant 4 : i32
        %shift_right_arithmetic3A_668 = arith.shrsi %select_n3A_666, %shift_right_arithmetic3A_667 : i32
        %and3A_669 = arith.constant 15 : i32
        %and3A_670 = arith.andi %select_n3A_666, %and3A_669 : i32
        %mul3A_671 = arith.constant 64 : i32
        %mul3A_672 = arith.muli %and3A_670, %mul3A_671 : i32
        %dma_wait3A_673 = arith.constant 0 : i32
        %dma_wait3A_674 = tpu.memref_slice %arg4[%shift_right_arithmetic3A_668, %mul3A_672, %dma_wait3A_673] : memref<199x1024x128xf32, #tpu.memory_space<hbm>> -> memref<1x64x128xf32, #tpu.memory_space<hbm>>
        %dma_wait3A_675 = tpu.memref_squeeze %dma_wait3A_674 : memref<1x64x128xf32, #tpu.memory_space<hbm>> -> memref<64x128xf32, #tpu.memory_space<hbm>>
        %dma_wait3A_676 = arith.constant 0 : i32
        %dma_wait3A_677 = tpu.memref_slice %arg4[%shift_right_arithmetic3A_668, %mul3A_672, %dma_wait3A_676] : memref<199x1024x128xf32, #tpu.memory_space<hbm>> -> memref<1x64x128xf32, #tpu.memory_space<hbm>>
        %dma_wait3A_678 = tpu.memref_squeeze %dma_wait3A_677 : memref<1x64x128xf32, #tpu.memory_space<hbm>> -> memref<64x128xf32, #tpu.memory_space<hbm>>
        tpu.wait_dma2 semaphore(%arg31 : memref<!tpu.dma_semaphore, #tpu.memory_space<semaphore_mem>>) src(%arg11 : memref<64x128xf32, #tpu.memory_space<vmem>>) dst(%dma_wait3A_678 : memref<64x128xf32, #tpu.memory_space<hbm>>)
      } else {
      }
      %dma_start3A_291 = arith.constant 0 : i32
      %dma_start3A_292 = tpu.memref_slice %arg5[%add3A_285, %dma_start3A_291] : memref<100x64xi32, #tpu.memory_space<vmem>> -> memref<1x64xi32, #tpu.memory_space<vmem>>
      %dma_start3A_293 = tpu.memref_squeeze %dma_start3A_292 : memref<1x64xi32, #tpu.memory_space<vmem>> -> memref<64xi32, #tpu.memory_space<vmem>>
      %dma_start3A_294 = arith.constant 0 : i32
      %dma_start3A_295 = arith.constant 0 : i32
      %dma_start3A_296 = tpu.memref_slice %arg3[%dma_start3A_294, %dma_start3A_295] : memref<100000x128xf32, #tpu.memory_space<hbm>> -> memref<100000x128xf32, #tpu.memory_space<hbm>>
      tpu.enqueue_indirect_dma source(%dma_start3A_296 : memref<100000x128xf32, #tpu.memory_space<hbm>>) target(%arg11 : memref<64x128xf32, #tpu.memory_space<vmem>>) offsets(%dma_start3A_293 : memref<64xi32, #tpu.memory_space<vmem>>) semaphore(%arg21 : memref<!tpu.dma_semaphore, #tpu.memory_space<semaphore_mem>>)
      %mul3A_297 = arith.constant 10 : i32
      %mul3A_298 = arith.muli %scan3A_210, %mul3A_297 : i32
      %add3A_299 = arith.constant 6 : i32
      %add3A_300 = arith.addi %mul3A_298, %add3A_299 : i32
      %gt3A_301 = arith.constant 0 : i32
      %gt3A_302 = arith.cmpi sgt, %scan3A_210, %gt3A_301 : i32
      %convert_element_type3A_303 = arith.extui %gt3A_302 : i1 to i32
      %cond3A_304 = arith.constant 0 : i32
      %cond3A_305 = arith.cmpi ne, %convert_element_type3A_303, %cond3A_304 : i32
      scf.if %cond3A_305 {
        %sub3A_657 = arith.constant 10 : i32
        %sub3A_658 = arith.subi %add3A_300, %sub3A_657 : i32
        %mul3A_659 = arith.constant 100 : i32
        %mul3A_660 = arith.muli %add3A, %mul3A_659 : i32
        %add3A_661 = arith.addi %mul3A_660, %sub3A_658 : i32
        %lt3A_662 = arith.constant 3184 : i32
        %lt3A_663 = arith.cmpi slt, %add3A_661, %lt3A_662 : i32
        %sub3A_664 = arith.constant 3184 : i32
        %sub3A_665 = arith.subi %add3A_661, %sub3A_664 : i32
        %select_n3A_666 = arith.select %lt3A_663, %add3A_661, %sub3A_665 : i32
        %shift_right_arithmetic3A_667 = arith.constant 4 : i32
        %shift_right_arithmetic3A_668 = arith.shrsi %select_n3A_666, %shift_right_arithmetic3A_667 : i32
        %and3A_669 = arith.constant 15 : i32
        %and3A_670 = arith.andi %select_n3A_666, %and3A_669 : i32
        %mul3A_671 = arith.constant 64 : i32
        %mul3A_672 = arith.muli %and3A_670, %mul3A_671 : i32
        %dma_wait3A_673 = arith.constant 0 : i32
        %dma_wait3A_674 = tpu.memref_slice %arg4[%shift_right_arithmetic3A_668, %mul3A_672, %dma_wait3A_673] : memref<199x1024x128xf32, #tpu.memory_space<hbm>> -> memref<1x64x128xf32, #tpu.memory_space<hbm>>
        %dma_wait3A_675 = tpu.memref_squeeze %dma_wait3A_674 : memref<1x64x128xf32, #tpu.memory_space<hbm>> -> memref<64x128xf32, #tpu.memory_space<hbm>>
        %dma_wait3A_676 = arith.constant 0 : i32
        %dma_wait3A_677 = tpu.memref_slice %arg4[%shift_right_arithmetic3A_668, %mul3A_672, %dma_wait3A_676] : memref<199x1024x128xf32, #tpu.memory_space<hbm>> -> memref<1x64x128xf32, #tpu.memory_space<hbm>>
        %dma_wait3A_678 = tpu.memref_squeeze %dma_wait3A_677 : memref<1x64x128xf32, #tpu.memory_space<hbm>> -> memref<64x128xf32, #tpu.memory_space<hbm>>
        tpu.wait_dma2 semaphore(%arg32 : memref<!tpu.dma_semaphore, #tpu.memory_space<semaphore_mem>>) src(%arg12 : memref<64x128xf32, #tpu.memory_space<vmem>>) dst(%dma_wait3A_678 : memref<64x128xf32, #tpu.memory_space<hbm>>)
      } else {
      }
      %dma_start3A_306 = arith.constant 0 : i32
      %dma_start3A_307 = tpu.memref_slice %arg5[%add3A_300, %dma_start3A_306] : memref<100x64xi32, #tpu.memory_space<vmem>> -> memref<1x64xi32, #tpu.memory_space<vmem>>
      %dma_start3A_308 = tpu.memref_squeeze %dma_start3A_307 : memref<1x64xi32, #tpu.memory_space<vmem>> -> memref<64xi32, #tpu.memory_space<vmem>>
      %dma_start3A_309 = arith.constant 0 : i32
      %dma_start3A_310 = arith.constant 0 : i32
      %dma_start3A_311 = tpu.memref_slice %arg3[%dma_start3A_309, %dma_start3A_310] : memref<100000x128xf32, #tpu.memory_space<hbm>> -> memref<100000x128xf32, #tpu.memory_space<hbm>>
      tpu.enqueue_indirect_dma source(%dma_start3A_311 : memref<100000x128xf32, #tpu.memory_space<hbm>>) target(%arg12 : memref<64x128xf32, #tpu.memory_space<vmem>>) offsets(%dma_start3A_308 : memref<64xi32, #tpu.memory_space<vmem>>) semaphore(%arg22 : memref<!tpu.dma_semaphore, #tpu.memory_space<semaphore_mem>>)
      %mul3A_312 = arith.constant 10 : i32
      %mul3A_313 = arith.muli %scan3A_210, %mul3A_312 : i32
      %add3A_314 = arith.constant 7 : i32
      %add3A_315 = arith.addi %mul3A_313, %add3A_314 : i32
      %gt3A_316 = arith.constant 0 : i32
      %gt3A_317 = arith.cmpi sgt, %scan3A_210, %gt3A_316 : i32
      %convert_element_type3A_318 = arith.extui %gt3A_317 : i1 to i32
      %cond3A_319 = arith.constant 0 : i32
      %cond3A_320 = arith.cmpi ne, %convert_element_type3A_318, %cond3A_319 : i32
      scf.if %cond3A_320 {
        %sub3A_657 = arith.constant 10 : i32
        %sub3A_658 = arith.subi %add3A_315, %sub3A_657 : i32
        %mul3A_659 = arith.constant 100 : i32
        %mul3A_660 = arith.muli %add3A, %mul3A_659 : i32
        %add3A_661 = arith.addi %mul3A_660, %sub3A_658 : i32
        %lt3A_662 = arith.constant 3184 : i32
        %lt3A_663 = arith.cmpi slt, %add3A_661, %lt3A_662 : i32
        %sub3A_664 = arith.constant 3184 : i32
        %sub3A_665 = arith.subi %add3A_661, %sub3A_664 : i32
        %select_n3A_666 = arith.select %lt3A_663, %add3A_661, %sub3A_665 : i32
        %shift_right_arithmetic3A_667 = arith.constant 4 : i32
        %shift_right_arithmetic3A_668 = arith.shrsi %select_n3A_666, %shift_right_arithmetic3A_667 : i32
        %and3A_669 = arith.constant 15 : i32
        %and3A_670 = arith.andi %select_n3A_666, %and3A_669 : i32
        %mul3A_671 = arith.constant 64 : i32
        %mul3A_672 = arith.muli %and3A_670, %mul3A_671 : i32
        %dma_wait3A_673 = arith.constant 0 : i32
        %dma_wait3A_674 = tpu.memref_slice %arg4[%shift_right_arithmetic3A_668, %mul3A_672, %dma_wait3A_673] : memref<199x1024x128xf32, #tpu.memory_space<hbm>> -> memref<1x64x128xf32, #tpu.memory_space<hbm>>
        %dma_wait3A_675 = tpu.memref_squeeze %dma_wait3A_674 : memref<1x64x128xf32, #tpu.memory_space<hbm>> -> memref<64x128xf32, #tpu.memory_space<hbm>>
        %dma_wait3A_676 = arith.constant 0 : i32
        %dma_wait3A_677 = tpu.memref_slice %arg4[%shift_right_arithmetic3A_668, %mul3A_672, %dma_wait3A_676] : memref<199x1024x128xf32, #tpu.memory_space<hbm>> -> memref<1x64x128xf32, #tpu.memory_space<hbm>>
        %dma_wait3A_678 = tpu.memref_squeeze %dma_wait3A_677 : memref<1x64x128xf32, #tpu.memory_space<hbm>> -> memref<64x128xf32, #tpu.memory_space<hbm>>
        tpu.wait_dma2 semaphore(%arg33 : memref<!tpu.dma_semaphore, #tpu.memory_space<semaphore_mem>>) src(%arg13 : memref<64x128xf32, #tpu.memory_space<vmem>>) dst(%dma_wait3A_678 : memref<64x128xf32, #tpu.memory_space<hbm>>)
      } else {
      }
      %dma_start3A_321 = arith.constant 0 : i32
      %dma_start3A_322 = tpu.memref_slice %arg5[%add3A_315, %dma_start3A_321] : memref<100x64xi32, #tpu.memory_space<vmem>> -> memref<1x64xi32, #tpu.memory_space<vmem>>
      %dma_start3A_323 = tpu.memref_squeeze %dma_start3A_322 : memref<1x64xi32, #tpu.memory_space<vmem>> -> memref<64xi32, #tpu.memory_space<vmem>>
      %dma_start3A_324 = arith.constant 0 : i32
      %dma_start3A_325 = arith.constant 0 : i32
      %dma_start3A_326 = tpu.memref_slice %arg3[%dma_start3A_324, %dma_start3A_325] : memref<100000x128xf32, #tpu.memory_space<hbm>> -> memref<100000x128xf32, #tpu.memory_space<hbm>>
      tpu.enqueue_indirect_dma source(%dma_start3A_326 : memref<100000x128xf32, #tpu.memory_space<hbm>>) target(%arg13 : memref<64x128xf32, #tpu.memory_space<vmem>>) offsets(%dma_start3A_323 : memref<64xi32, #tpu.memory_space<vmem>>) semaphore(%arg23 : memref<!tpu.dma_semaphore, #tpu.memory_space<semaphore_mem>>)
      %mul3A_327 = arith.constant 10 : i32
      %mul3A_328 = arith.muli %scan3A_210, %mul3A_327 : i32
      %add3A_329 = arith.constant 8 : i32
      %add3A_330 = arith.addi %mul3A_328, %add3A_329 : i32
      %gt3A_331 = arith.constant 0 : i32
      %gt3A_332 = arith.cmpi sgt, %scan3A_210, %gt3A_331 : i32
      %convert_element_type3A_333 = arith.extui %gt3A_332 : i1 to i32
      %cond3A_334 = arith.constant 0 : i32
      %cond3A_335 = arith.cmpi ne, %convert_element_type3A_333, %cond3A_334 : i32
      scf.if %cond3A_335 {
        %sub3A_657 = arith.constant 10 : i32
        %sub3A_658 = arith.subi %add3A_330, %sub3A_657 : i32
        %mul3A_659 = arith.constant 100 : i32
        %mul3A_660 = arith.muli %add3A, %mul3A_659 : i32
        %add3A_661 = arith.addi %mul3A_660, %sub3A_658 : i32
        %lt3A_662 = arith.constant 3184 : i32
        %lt3A_663 = arith.cmpi slt, %add3A_661, %lt3A_662 : i32
        %sub3A_664 = arith.constant 3184 : i32
        %sub3A_665 = arith.subi %add3A_661, %sub3A_664 : i32
        %select_n3A_666 = arith.select %lt3A_663, %add3A_661, %sub3A_665 : i32
        %shift_right_arithmetic3A_667 = arith.constant 4 : i32
        %shift_right_arithmetic3A_668 = arith.shrsi %select_n3A_666, %shift_right_arithmetic3A_667 : i32
        %and3A_669 = arith.constant 15 : i32
        %and3A_670 = arith.andi %select_n3A_666, %and3A_669 : i32
        %mul3A_671 = arith.constant 64 : i32
        %mul3A_672 = arith.muli %and3A_670, %mul3A_671 : i32
        %dma_wait3A_673 = arith.constant 0 : i32
        %dma_wait3A_674 = tpu.memref_slice %arg4[%shift_right_arithmetic3A_668, %mul3A_672, %dma_wait3A_673] : memref<199x1024x128xf32, #tpu.memory_space<hbm>> -> memref<1x64x128xf32, #tpu.memory_space<hbm>>
        %dma_wait3A_675 = tpu.memref_squeeze %dma_wait3A_674 : memref<1x64x128xf32, #tpu.memory_space<hbm>> -> memref<64x128xf32, #tpu.memory_space<hbm>>
        %dma_wait3A_676 = arith.constant 0 : i32
        %dma_wait3A_677 = tpu.memref_slice %arg4[%shift_right_arithmetic3A_668, %mul3A_672, %dma_wait3A_676] : memref<199x1024x128xf32, #tpu.memory_space<hbm>> -> memref<1x64x128xf32, #tpu.memory_space<hbm>>
        %dma_wait3A_678 = tpu.memref_squeeze %dma_wait3A_677 : memref<1x64x128xf32, #tpu.memory_space<hbm>> -> memref<64x128xf32, #tpu.memory_space<hbm>>
        tpu.wait_dma2 semaphore(%arg34 : memref<!tpu.dma_semaphore, #tpu.memory_space<semaphore_mem>>) src(%arg14 : memref<64x128xf32, #tpu.memory_space<vmem>>) dst(%dma_wait3A_678 : memref<64x128xf32, #tpu.memory_space<hbm>>)
      } else {
      }
      %dma_start3A_336 = arith.constant 0 : i32
      %dma_start3A_337 = tpu.memref_slice %arg5[%add3A_330, %dma_start3A_336] : memref<100x64xi32, #tpu.memory_space<vmem>> -> memref<1x64xi32, #tpu.memory_space<vmem>>
      %dma_start3A_338 = tpu.memref_squeeze %dma_start3A_337 : memref<1x64xi32, #tpu.memory_space<vmem>> -> memref<64xi32, #tpu.memory_space<vmem>>
      %dma_start3A_339 = arith.constant 0 : i32
      %dma_start3A_340 = arith.constant 0 : i32
      %dma_start3A_341 = tpu.memref_slice %arg3[%dma_start3A_339, %dma_start3A_340] : memref<100000x128xf32, #tpu.memory_space<hbm>> -> memref<100000x128xf32, #tpu.memory_space<hbm>>
      tpu.enqueue_indirect_dma source(%dma_start3A_341 : memref<100000x128xf32, #tpu.memory_space<hbm>>) target(%arg14 : memref<64x128xf32, #tpu.memory_space<vmem>>) offsets(%dma_start3A_338 : memref<64xi32, #tpu.memory_space<vmem>>) semaphore(%arg24 : memref<!tpu.dma_semaphore, #tpu.memory_space<semaphore_mem>>)
      %mul3A_342 = arith.constant 10 : i32
      %mul3A_343 = arith.muli %scan3A_210, %mul3A_342 : i32
      %add3A_344 = arith.constant 9 : i32
      %add3A_345 = arith.addi %mul3A_343, %add3A_344 : i32
      %gt3A_346 = arith.constant 0 : i32
      %gt3A_347 = arith.cmpi sgt, %scan3A_210, %gt3A_346 : i32
      %convert_element_type3A_348 = arith.extui %gt3A_347 : i1 to i32
      %cond3A_349 = arith.constant 0 : i32
      %cond3A_350 = arith.cmpi ne, %convert_element_type3A_348, %cond3A_349 : i32
      scf.if %cond3A_350 {
        %sub3A_657 = arith.constant 10 : i32
        %sub3A_658 = arith.subi %add3A_345, %sub3A_657 : i32
        %mul3A_659 = arith.constant 100 : i32
        %mul3A_660 = arith.muli %add3A, %mul3A_659 : i32
        %add3A_661 = arith.addi %mul3A_660, %sub3A_658 : i32
        %lt3A_662 = arith.constant 3184 : i32
        %lt3A_663 = arith.cmpi slt, %add3A_661, %lt3A_662 : i32
        %sub3A_664 = arith.constant 3184 : i32
        %sub3A_665 = arith.subi %add3A_661, %sub3A_664 : i32
        %select_n3A_666 = arith.select %lt3A_663, %add3A_661, %sub3A_665 : i32
        %shift_right_arithmetic3A_667 = arith.constant 4 : i32
        %shift_right_arithmetic3A_668 = arith.shrsi %select_n3A_666, %shift_right_arithmetic3A_667 : i32
        %and3A_669 = arith.constant 15 : i32
        %and3A_670 = arith.andi %select_n3A_666, %and3A_669 : i32
        %mul3A_671 = arith.constant 64 : i32
        %mul3A_672 = arith.muli %and3A_670, %mul3A_671 : i32
        %dma_wait3A_673 = arith.constant 0 : i32
        %dma_wait3A_674 = tpu.memref_slice %arg4[%shift_right_arithmetic3A_668, %mul3A_672, %dma_wait3A_673] : memref<199x1024x128xf32, #tpu.memory_space<hbm>> -> memref<1x64x128xf32, #tpu.memory_space<hbm>>
        %dma_wait3A_675 = tpu.memref_squeeze %dma_wait3A_674 : memref<1x64x128xf32, #tpu.memory_space<hbm>> -> memref<64x128xf32, #tpu.memory_space<hbm>>
        %dma_wait3A_676 = arith.constant 0 : i32
        %dma_wait3A_677 = tpu.memref_slice %arg4[%shift_right_arithmetic3A_668, %mul3A_672, %dma_wait3A_676] : memref<199x1024x128xf32, #tpu.memory_space<hbm>> -> memref<1x64x128xf32, #tpu.memory_space<hbm>>
        %dma_wait3A_678 = tpu.memref_squeeze %dma_wait3A_677 : memref<1x64x128xf32, #tpu.memory_space<hbm>> -> memref<64x128xf32, #tpu.memory_space<hbm>>
        tpu.wait_dma2 semaphore(%arg35 : memref<!tpu.dma_semaphore, #tpu.memory_space<semaphore_mem>>) src(%arg15 : memref<64x128xf32, #tpu.memory_space<vmem>>) dst(%dma_wait3A_678 : memref<64x128xf32, #tpu.memory_space<hbm>>)
      } else {
      }
      %dma_start3A_351 = arith.constant 0 : i32
      %dma_start3A_352 = tpu.memref_slice %arg5[%add3A_345, %dma_start3A_351] : memref<100x64xi32, #tpu.memory_space<vmem>> -> memref<1x64xi32, #tpu.memory_space<vmem>>
      %dma_start3A_353 = tpu.memref_squeeze %dma_start3A_352 : memref<1x64xi32, #tpu.memory_space<vmem>> -> memref<64xi32, #tpu.memory_space<vmem>>
      %dma_start3A_354 = arith.constant 0 : i32
      %dma_start3A_355 = arith.constant 0 : i32
      %dma_start3A_356 = tpu.memref_slice %arg3[%dma_start3A_354, %dma_start3A_355] : memref<100000x128xf32, #tpu.memory_space<hbm>> -> memref<100000x128xf32, #tpu.memory_space<hbm>>
      tpu.enqueue_indirect_dma source(%dma_start3A_356 : memref<100000x128xf32, #tpu.memory_space<hbm>>) target(%arg15 : memref<64x128xf32, #tpu.memory_space<vmem>>) offsets(%dma_start3A_353 : memref<64xi32, #tpu.memory_space<vmem>>) semaphore(%arg25 : memref<!tpu.dma_semaphore, #tpu.memory_space<semaphore_mem>>)
      %mul3A_357 = arith.constant 10 : i32
      %mul3A_358 = arith.muli %scan3A_210, %mul3A_357 : i32
      %add3A_359 = arith.constant 0 : i32
      %add3A_360 = arith.addi %mul3A_358, %add3A_359 : i32
      %dma_wait3A_361 = arith.constant 0 : i32
      %dma_wait3A_362 = tpu.memref_slice %arg5[%add3A_360, %dma_wait3A_361] : memref<100x64xi32, #tpu.memory_space<vmem>> -> memref<1x64xi32, #tpu.memory_space<vmem>>
      %dma_wait3A_363 = tpu.memref_squeeze %dma_wait3A_362 : memref<1x64xi32, #tpu.memory_space<vmem>> -> memref<64xi32, #tpu.memory_space<vmem>>
      %dma_wait3A_364 = arith.constant 0 : i32
      %dma_wait3A_365 = arith.constant 0 : i32
      %dma_wait3A_366 = tpu.memref_slice %arg3[%dma_wait3A_364, %dma_wait3A_365] : memref<100000x128xf32, #tpu.memory_space<hbm>> -> memref<100000x128xf32, #tpu.memory_space<hbm>>
      tpu.wait_indirect_dma semaphore(%arg16 : memref<!tpu.dma_semaphore, #tpu.memory_space<semaphore_mem>>) src(%dma_wait3A_366 : memref<100000x128xf32, #tpu.memory_space<hbm>>) dst(%arg6 : memref<64x128xf32, #tpu.memory_space<vmem>>)
      %mul3A_367 = arith.constant 100 : i32
      %mul3A_368 = arith.muli %add3A, %mul3A_367 : i32
      %add3A_369 = arith.addi %mul3A_368, %add3A_360 : i32
      %lt3A_370 = arith.constant 3184 : i32
      %lt3A_371 = arith.cmpi slt, %add3A_369, %lt3A_370 : i32
      %sub3A_372 = arith.constant 3184 : i32
      %sub3A_373 = arith.subi %add3A_369, %sub3A_372 : i32
      %select_n3A_374 = arith.select %lt3A_371, %add3A_369, %sub3A_373 : i32
      %shift_right_arithmetic3A_375 = arith.constant 4 : i32
      %shift_right_arithmetic3A_376 = arith.shrsi %select_n3A_374, %shift_right_arithmetic3A_375 : i32
      %and3A_377 = arith.constant 15 : i32
      %and3A_378 = arith.andi %select_n3A_374, %and3A_377 : i32
      %mul3A_379 = arith.constant 64 : i32
      %mul3A_380 = arith.muli %and3A_378, %mul3A_379 : i32
      %dma_start3A_381 = arith.constant 0 : i32
      %dma_start3A_382 = tpu.memref_slice %arg4[%shift_right_arithmetic3A_376, %mul3A_380, %dma_start3A_381] : memref<199x1024x128xf32, #tpu.memory_space<hbm>> -> memref<1x64x128xf32, #tpu.memory_space<hbm>>
      %dma_start3A_383 = tpu.memref_squeeze %dma_start3A_382 : memref<1x64x128xf32, #tpu.memory_space<hbm>> -> memref<64x128xf32, #tpu.memory_space<hbm>>
      %dma_start3A_384 = arith.constant 0 : i32
      %dma_start3A_385 = tpu.memref_slice %arg4[%shift_right_arithmetic3A_376, %mul3A_380, %dma_start3A_384] : memref<199x1024x128xf32, #tpu.memory_space<hbm>> -> memref<1x64x128xf32, #tpu.memory_space<hbm>>
      %dma_start3A_386 = tpu.memref_squeeze %dma_start3A_385 : memref<1x64x128xf32, #tpu.memory_space<hbm>> -> memref<64x128xf32, #tpu.memory_space<hbm>>
      tpu.enqueue_dma source(%arg6 : memref<64x128xf32, #tpu.memory_space<vmem>>) target(%dma_start3A_386 : memref<64x128xf32, #tpu.memory_space<hbm>>) target_semaphore(%arg26 : memref<!tpu.dma_semaphore, #tpu.memory_space<semaphore_mem>>)
      %mul3A_387 = arith.constant 10 : i32
      %mul3A_388 = arith.muli %scan3A_210, %mul3A_387 : i32
      %add3A_389 = arith.constant 1 : i32
      %add3A_390 = arith.addi %mul3A_388, %add3A_389 : i32
      %dma_wait3A_391 = arith.constant 0 : i32
      %dma_wait3A_392 = tpu.memref_slice %arg5[%add3A_390, %dma_wait3A_391] : memref<100x64xi32, #tpu.memory_space<vmem>> -> memref<1x64xi32, #tpu.memory_space<vmem>>
      %dma_wait3A_393 = tpu.memref_squeeze %dma_wait3A_392 : memref<1x64xi32, #tpu.memory_space<vmem>> -> memref<64xi32, #tpu.memory_space<vmem>>
      %dma_wait3A_394 = arith.constant 0 : i32
      %dma_wait3A_395 = arith.constant 0 : i32
      %dma_wait3A_396 = tpu.memref_slice %arg3[%dma_wait3A_394, %dma_wait3A_395] : memref<100000x128xf32, #tpu.memory_space<hbm>> -> memref<100000x128xf32, #tpu.memory_space<hbm>>
      tpu.wait_indirect_dma semaphore(%arg17 : memref<!tpu.dma_semaphore, #tpu.memory_space<semaphore_mem>>) src(%dma_wait3A_396 : memref<100000x128xf32, #tpu.memory_space<hbm>>) dst(%arg7 : memref<64x128xf32, #tpu.memory_space<vmem>>)
      %mul3A_397 = arith.constant 100 : i32
      %mul3A_398 = arith.muli %add3A, %mul3A_397 : i32
      %add3A_399 = arith.addi %mul3A_398, %add3A_390 : i32
      %lt3A_400 = arith.constant 3184 : i32
      %lt3A_401 = arith.cmpi slt, %add3A_399, %lt3A_400 : i32
      %sub3A_402 = arith.constant 3184 : i32
      %sub3A_403 = arith.subi %add3A_399, %sub3A_402 : i32
      %select_n3A_404 = arith.select %lt3A_401, %add3A_399, %sub3A_403 : i32
      %shift_right_arithmetic3A_405 = arith.constant 4 : i32
      %shift_right_arithmetic3A_406 = arith.shrsi %select_n3A_404, %shift_right_arithmetic3A_405 : i32
      %and3A_407 = arith.constant 15 : i32
      %and3A_408 = arith.andi %select_n3A_404, %and3A_407 : i32
      %mul3A_409 = arith.constant 64 : i32
      %mul3A_410 = arith.muli %and3A_408, %mul3A_409 : i32
      %dma_start3A_411 = arith.constant 0 : i32
      %dma_start3A_412 = tpu.memref_slice %arg4[%shift_right_arithmetic3A_406, %mul3A_410, %dma_start3A_411] : memref<199x1024x128xf32, #tpu.memory_space<hbm>> -> memref<1x64x128xf32, #tpu.memory_space<hbm>>
      %dma_start3A_413 = tpu.memref_squeeze %dma_start3A_412 : memref<1x64x128xf32, #tpu.memory_space<hbm>> -> memref<64x128xf32, #tpu.memory_space<hbm>>
      %dma_start3A_414 = arith.constant 0 : i32
      %dma_start3A_415 = tpu.memref_slice %arg4[%shift_right_arithmetic3A_406, %mul3A_410, %dma_start3A_414] : memref<199x1024x128xf32, #tpu.memory_space<hbm>> -> memref<1x64x128xf32, #tpu.memory_space<hbm>>
      %dma_start3A_416 = tpu.memref_squeeze %dma_start3A_415 : memref<1x64x128xf32, #tpu.memory_space<hbm>> -> memref<64x128xf32, #tpu.memory_space<hbm>>
      tpu.enqueue_dma source(%arg7 : memref<64x128xf32, #tpu.memory_space<vmem>>) target(%dma_start3A_416 : memref<64x128xf32, #tpu.memory_space<hbm>>) target_semaphore(%arg27 : memref<!tpu.dma_semaphore, #tpu.memory_space<semaphore_mem>>)
      %mul3A_417 = arith.constant 10 : i32
      %mul3A_418 = arith.muli %scan3A_210, %mul3A_417 : i32
      %add3A_419 = arith.constant 2 : i32
      %add3A_420 = arith.addi %mul3A_418, %add3A_419 : i32
      %dma_wait3A_421 = arith.constant 0 : i32
      %dma_wait3A_422 = tpu.memref_slice %arg5[%add3A_420, %dma_wait3A_421] : memref<100x64xi32, #tpu.memory_space<vmem>> -> memref<1x64xi32, #tpu.memory_space<vmem>>
      %dma_wait3A_423 = tpu.memref_squeeze %dma_wait3A_422 : memref<1x64xi32, #tpu.memory_space<vmem>> -> memref<64xi32, #tpu.memory_space<vmem>>
      %dma_wait3A_424 = arith.constant 0 : i32
      %dma_wait3A_425 = arith.constant 0 : i32
      %dma_wait3A_426 = tpu.memref_slice %arg3[%dma_wait3A_424, %dma_wait3A_425] : memref<100000x128xf32, #tpu.memory_space<hbm>> -> memref<100000x128xf32, #tpu.memory_space<hbm>>
      tpu.wait_indirect_dma semaphore(%arg18 : memref<!tpu.dma_semaphore, #tpu.memory_space<semaphore_mem>>) src(%dma_wait3A_426 : memref<100000x128xf32, #tpu.memory_space<hbm>>) dst(%arg8 : memref<64x128xf32, #tpu.memory_space<vmem>>)
      %mul3A_427 = arith.constant 100 : i32
      %mul3A_428 = arith.muli %add3A, %mul3A_427 : i32
      %add3A_429 = arith.addi %mul3A_428, %add3A_420 : i32
      %lt3A_430 = arith.constant 3184 : i32
      %lt3A_431 = arith.cmpi slt, %add3A_429, %lt3A_430 : i32
      %sub3A_432 = arith.constant 3184 : i32
      %sub3A_433 = arith.subi %add3A_429, %sub3A_432 : i32
      %select_n3A_434 = arith.select %lt3A_431, %add3A_429, %sub3A_433 : i32
      %shift_right_arithmetic3A_435 = arith.constant 4 : i32
      %shift_right_arithmetic3A_436 = arith.shrsi %select_n3A_434, %shift_right_arithmetic3A_435 : i32
      %and3A_437 = arith.constant 15 : i32
      %and3A_438 = arith.andi %select_n3A_434, %and3A_437 : i32
      %mul3A_439 = arith.constant 64 : i32
      %mul3A_440 = arith.muli %and3A_438, %mul3A_439 : i32
      %dma_start3A_441 = arith.constant 0 : i32
      %dma_start3A_442 = tpu.memref_slice %arg4[%shift_right_arithmetic3A_436, %mul3A_440, %dma_start3A_441] : memref<199x1024x128xf32, #tpu.memory_space<hbm>> -> memref<1x64x128xf32, #tpu.memory_space<hbm>>
      %dma_start3A_443 = tpu.memref_squeeze %dma_start3A_442 : memref<1x64x128xf32, #tpu.memory_space<hbm>> -> memref<64x128xf32, #tpu.memory_space<hbm>>
      %dma_start3A_444 = arith.constant 0 : i32
      %dma_start3A_445 = tpu.memref_slice %arg4[%shift_right_arithmetic3A_436, %mul3A_440, %dma_start3A_444] : memref<199x1024x128xf32, #tpu.memory_space<hbm>> -> memref<1x64x128xf32, #tpu.memory_space<hbm>>
      %dma_start3A_446 = tpu.memref_squeeze %dma_start3A_445 : memref<1x64x128xf32, #tpu.memory_space<hbm>> -> memref<64x128xf32, #tpu.memory_space<hbm>>
      tpu.enqueue_dma source(%arg8 : memref<64x128xf32, #tpu.memory_space<vmem>>) target(%dma_start3A_446 : memref<64x128xf32, #tpu.memory_space<hbm>>) target_semaphore(%arg28 : memref<!tpu.dma_semaphore, #tpu.memory_space<semaphore_mem>>)
      %mul3A_447 = arith.constant 10 : i32
      %mul3A_448 = arith.muli %scan3A_210, %mul3A_447 : i32
      %add3A_449 = arith.constant 3 : i32
      %add3A_450 = arith.addi %mul3A_448, %add3A_449 : i32
      %dma_wait3A_451 = arith.constant 0 : i32
      %dma_wait3A_452 = tpu.memref_slice %arg5[%add3A_450, %dma_wait3A_451] : memref<100x64xi32, #tpu.memory_space<vmem>> -> memref<1x64xi32, #tpu.memory_space<vmem>>
      %dma_wait3A_453 = tpu.memref_squeeze %dma_wait3A_452 : memref<1x64xi32, #tpu.memory_space<vmem>> -> memref<64xi32, #tpu.memory_space<vmem>>
      %dma_wait3A_454 = arith.constant 0 : i32
      %dma_wait3A_455 = arith.constant 0 : i32
      %dma_wait3A_456 = tpu.memref_slice %arg3[%dma_wait3A_454, %dma_wait3A_455] : memref<100000x128xf32, #tpu.memory_space<hbm>> -> memref<100000x128xf32, #tpu.memory_space<hbm>>
      tpu.wait_indirect_dma semaphore(%arg19 : memref<!tpu.dma_semaphore, #tpu.memory_space<semaphore_mem>>) src(%dma_wait3A_456 : memref<100000x128xf32, #tpu.memory_space<hbm>>) dst(%arg9 : memref<64x128xf32, #tpu.memory_space<vmem>>)
      %mul3A_457 = arith.constant 100 : i32
      %mul3A_458 = arith.muli %add3A, %mul3A_457 : i32
      %add3A_459 = arith.addi %mul3A_458, %add3A_450 : i32
      %lt3A_460 = arith.constant 3184 : i32
      %lt3A_461 = arith.cmpi slt, %add3A_459, %lt3A_460 : i32
      %sub3A_462 = arith.constant 3184 : i32
      %sub3A_463 = arith.subi %add3A_459, %sub3A_462 : i32
      %select_n3A_464 = arith.select %lt3A_461, %add3A_459, %sub3A_463 : i32
      %shift_right_arithmetic3A_465 = arith.constant 4 : i32
      %shift_right_arithmetic3A_466 = arith.shrsi %select_n3A_464, %shift_right_arithmetic3A_465 : i32
      %and3A_467 = arith.constant 15 : i32
      %and3A_468 = arith.andi %select_n3A_464, %and3A_467 : i32
      %mul3A_469 = arith.constant 64 : i32
      %mul3A_470 = arith.muli %and3A_468, %mul3A_469 : i32
      %dma_start3A_471 = arith.constant 0 : i32
      %dma_start3A_472 = tpu.memref_slice %arg4[%shift_right_arithmetic3A_466, %mul3A_470, %dma_start3A_471] : memref<199x1024x128xf32, #tpu.memory_space<hbm>> -> memref<1x64x128xf32, #tpu.memory_space<hbm>>
      %dma_start3A_473 = tpu.memref_squeeze %dma_start3A_472 : memref<1x64x128xf32, #tpu.memory_space<hbm>> -> memref<64x128xf32, #tpu.memory_space<hbm>>
      %dma_start3A_474 = arith.constant 0 : i32
      %dma_start3A_475 = tpu.memref_slice %arg4[%shift_right_arithmetic3A_466, %mul3A_470, %dma_start3A_474] : memref<199x1024x128xf32, #tpu.memory_space<hbm>> -> memref<1x64x128xf32, #tpu.memory_space<hbm>>
      %dma_start3A_476 = tpu.memref_squeeze %dma_start3A_475 : memref<1x64x128xf32, #tpu.memory_space<hbm>> -> memref<64x128xf32, #tpu.memory_space<hbm>>
      tpu.enqueue_dma source(%arg9 : memref<64x128xf32, #tpu.memory_space<vmem>>) target(%dma_start3A_476 : memref<64x128xf32, #tpu.memory_space<hbm>>) target_semaphore(%arg29 : memref<!tpu.dma_semaphore, #tpu.memory_space<semaphore_mem>>)
      %mul3A_477 = arith.constant 10 : i32
      %mul3A_478 = arith.muli %scan3A_210, %mul3A_477 : i32
      %add3A_479 = arith.constant 4 : i32
      %add3A_480 = arith.addi %mul3A_478, %add3A_479 : i32
      %dma_wait3A_481 = arith.constant 0 : i32
      %dma_wait3A_482 = tpu.memref_slice %arg5[%add3A_480, %dma_wait3A_481] : memref<100x64xi32, #tpu.memory_space<vmem>> -> memref<1x64xi32, #tpu.memory_space<vmem>>
      %dma_wait3A_483 = tpu.memref_squeeze %dma_wait3A_482 : memref<1x64xi32, #tpu.memory_space<vmem>> -> memref<64xi32, #tpu.memory_space<vmem>>
      %dma_wait3A_484 = arith.constant 0 : i32
      %dma_wait3A_485 = arith.constant 0 : i32
      %dma_wait3A_486 = tpu.memref_slice %arg3[%dma_wait3A_484, %dma_wait3A_485] : memref<100000x128xf32, #tpu.memory_space<hbm>> -> memref<100000x128xf32, #tpu.memory_space<hbm>>
      tpu.wait_indirect_dma semaphore(%arg20 : memref<!tpu.dma_semaphore, #tpu.memory_space<semaphore_mem>>) src(%dma_wait3A_486 : memref<100000x128xf32, #tpu.memory_space<hbm>>) dst(%arg10 : memref<64x128xf32, #tpu.memory_space<vmem>>)
      %mul3A_487 = arith.constant 100 : i32
      %mul3A_488 = arith.muli %add3A, %mul3A_487 : i32
      %add3A_489 = arith.addi %mul3A_488, %add3A_480 : i32
      %lt3A_490 = arith.constant 3184 : i32
      %lt3A_491 = arith.cmpi slt, %add3A_489, %lt3A_490 : i32
      %sub3A_492 = arith.constant 3184 : i32
      %sub3A_493 = arith.subi %add3A_489, %sub3A_492 : i32
      %select_n3A_494 = arith.select %lt3A_491, %add3A_489, %sub3A_493 : i32
      %shift_right_arithmetic3A_495 = arith.constant 4 : i32
      %shift_right_arithmetic3A_496 = arith.shrsi %select_n3A_494, %shift_right_arithmetic3A_495 : i32
      %and3A_497 = arith.constant 15 : i32
      %and3A_498 = arith.andi %select_n3A_494, %and3A_497 : i32
      %mul3A_499 = arith.constant 64 : i32
      %mul3A_500 = arith.muli %and3A_498, %mul3A_499 : i32
      %dma_start3A_501 = arith.constant 0 : i32
      %dma_start3A_502 = tpu.memref_slice %arg4[%shift_right_arithmetic3A_496, %mul3A_500, %dma_start3A_501] : memref<199x1024x128xf32, #tpu.memory_space<hbm>> -> memref<1x64x128xf32, #tpu.memory_space<hbm>>
      %dma_start3A_503 = tpu.memref_squeeze %dma_start3A_502 : memref<1x64x128xf32, #tpu.memory_space<hbm>> -> memref<64x128xf32, #tpu.memory_space<hbm>>
      %dma_start3A_504 = arith.constant 0 : i32
      %dma_start3A_505 = tpu.memref_slice %arg4[%shift_right_arithmetic3A_496, %mul3A_500, %dma_start3A_504] : memref<199x1024x128xf32, #tpu.memory_space<hbm>> -> memref<1x64x128xf32, #tpu.memory_space<hbm>>
      %dma_start3A_506 = tpu.memref_squeeze %dma_start3A_505 : memref<1x64x128xf32, #tpu.memory_space<hbm>> -> memref<64x128xf32, #tpu.memory_space<hbm>>
      tpu.enqueue_dma source(%arg10 : memref<64x128xf32, #tpu.memory_space<vmem>>) target(%dma_start3A_506 : memref<64x128xf32, #tpu.memory_space<hbm>>) target_semaphore(%arg30 : memref<!tpu.dma_semaphore, #tpu.memory_space<semaphore_mem>>)
      %mul3A_507 = arith.constant 10 : i32
      %mul3A_508 = arith.muli %scan3A_210, %mul3A_507 : i32
      %add3A_509 = arith.constant 5 : i32
      %add3A_510 = arith.addi %mul3A_508, %add3A_509 : i32
      %dma_wait3A_511 = arith.constant 0 : i32
      %dma_wait3A_512 = tpu.memref_slice %arg5[%add3A_510, %dma_wait3A_511] : memref<100x64xi32, #tpu.memory_space<vmem>> -> memref<1x64xi32, #tpu.memory_space<vmem>>
      %dma_wait3A_513 = tpu.memref_squeeze %dma_wait3A_512 : memref<1x64xi32, #tpu.memory_space<vmem>> -> memref<64xi32, #tpu.memory_space<vmem>>
      %dma_wait3A_514 = arith.constant 0 : i32
      %dma_wait3A_515 = arith.constant 0 : i32
      %dma_wait3A_516 = tpu.memref_slice %arg3[%dma_wait3A_514, %dma_wait3A_515] : memref<100000x128xf32, #tpu.memory_space<hbm>> -> memref<100000x128xf32, #tpu.memory_space<hbm>>
      tpu.wait_indirect_dma semaphore(%arg21 : memref<!tpu.dma_semaphore, #tpu.memory_space<semaphore_mem>>) src(%dma_wait3A_516 : memref<100000x128xf32, #tpu.memory_space<hbm>>) dst(%arg11 : memref<64x128xf32, #tpu.memory_space<vmem>>)
      %mul3A_517 = arith.constant 100 : i32
      %mul3A_518 = arith.muli %add3A, %mul3A_517 : i32
      %add3A_519 = arith.addi %mul3A_518, %add3A_510 : i32
      %lt3A_520 = arith.constant 3184 : i32
      %lt3A_521 = arith.cmpi slt, %add3A_519, %lt3A_520 : i32
      %sub3A_522 = arith.constant 3184 : i32
      %sub3A_523 = arith.subi %add3A_519, %sub3A_522 : i32
      %select_n3A_524 = arith.select %lt3A_521, %add3A_519, %sub3A_523 : i32
      %shift_right_arithmetic3A_525 = arith.constant 4 : i32
      %shift_right_arithmetic3A_526 = arith.shrsi %select_n3A_524, %shift_right_arithmetic3A_525 : i32
      %and3A_527 = arith.constant 15 : i32
      %and3A_528 = arith.andi %select_n3A_524, %and3A_527 : i32
      %mul3A_529 = arith.constant 64 : i32
      %mul3A_530 = arith.muli %and3A_528, %mul3A_529 : i32
      %dma_start3A_531 = arith.constant 0 : i32
      %dma_start3A_532 = tpu.memref_slice %arg4[%shift_right_arithmetic3A_526, %mul3A_530, %dma_start3A_531] : memref<199x1024x128xf32, #tpu.memory_space<hbm>> -> memref<1x64x128xf32, #tpu.memory_space<hbm>>
      %dma_start3A_533 = tpu.memref_squeeze %dma_start3A_532 : memref<1x64x128xf32, #tpu.memory_space<hbm>> -> memref<64x128xf32, #tpu.memory_space<hbm>>
      %dma_start3A_534 = arith.constant 0 : i32
      %dma_start3A_535 = tpu.memref_slice %arg4[%shift_right_arithmetic3A_526, %mul3A_530, %dma_start3A_534] : memref<199x1024x128xf32, #tpu.memory_space<hbm>> -> memref<1x64x128xf32, #tpu.memory_space<hbm>>
      %dma_start3A_536 = tpu.memref_squeeze %dma_start3A_535 : memref<1x64x128xf32, #tpu.memory_space<hbm>> -> memref<64x128xf32, #tpu.memory_space<hbm>>
      tpu.enqueue_dma source(%arg11 : memref<64x128xf32, #tpu.memory_space<vmem>>) target(%dma_start3A_536 : memref<64x128xf32, #tpu.memory_space<hbm>>) target_semaphore(%arg31 : memref<!tpu.dma_semaphore, #tpu.memory_space<semaphore_mem>>)
      %mul3A_537 = arith.constant 10 : i32
      %mul3A_538 = arith.muli %scan3A_210, %mul3A_537 : i32
      %add3A_539 = arith.constant 6 : i32
      %add3A_540 = arith.addi %mul3A_538, %add3A_539 : i32
      %dma_wait3A_541 = arith.constant 0 : i32
      %dma_wait3A_542 = tpu.memref_slice %arg5[%add3A_540, %dma_wait3A_541] : memref<100x64xi32, #tpu.memory_space<vmem>> -> memref<1x64xi32, #tpu.memory_space<vmem>>
      %dma_wait3A_543 = tpu.memref_squeeze %dma_wait3A_542 : memref<1x64xi32, #tpu.memory_space<vmem>> -> memref<64xi32, #tpu.memory_space<vmem>>
      %dma_wait3A_544 = arith.constant 0 : i32
      %dma_wait3A_545 = arith.constant 0 : i32
      %dma_wait3A_546 = tpu.memref_slice %arg3[%dma_wait3A_544, %dma_wait3A_545] : memref<100000x128xf32, #tpu.memory_space<hbm>> -> memref<100000x128xf32, #tpu.memory_space<hbm>>
      tpu.wait_indirect_dma semaphore(%arg22 : memref<!tpu.dma_semaphore, #tpu.memory_space<semaphore_mem>>) src(%dma_wait3A_546 : memref<100000x128xf32, #tpu.memory_space<hbm>>) dst(%arg12 : memref<64x128xf32, #tpu.memory_space<vmem>>)
      %mul3A_547 = arith.constant 100 : i32
      %mul3A_548 = arith.muli %add3A, %mul3A_547 : i32
      %add3A_549 = arith.addi %mul3A_548, %add3A_540 : i32
      %lt3A_550 = arith.constant 3184 : i32
      %lt3A_551 = arith.cmpi slt, %add3A_549, %lt3A_550 : i32
      %sub3A_552 = arith.constant 3184 : i32
      %sub3A_553 = arith.subi %add3A_549, %sub3A_552 : i32
      %select_n3A_554 = arith.select %lt3A_551, %add3A_549, %sub3A_553 : i32
      %shift_right_arithmetic3A_555 = arith.constant 4 : i32
      %shift_right_arithmetic3A_556 = arith.shrsi %select_n3A_554, %shift_right_arithmetic3A_555 : i32
      %and3A_557 = arith.constant 15 : i32
      %and3A_558 = arith.andi %select_n3A_554, %and3A_557 : i32
      %mul3A_559 = arith.constant 64 : i32
      %mul3A_560 = arith.muli %and3A_558, %mul3A_559 : i32
      %dma_start3A_561 = arith.constant 0 : i32
      %dma_start3A_562 = tpu.memref_slice %arg4[%shift_right_arithmetic3A_556, %mul3A_560, %dma_start3A_561] : memref<199x1024x128xf32, #tpu.memory_space<hbm>> -> memref<1x64x128xf32, #tpu.memory_space<hbm>>
      %dma_start3A_563 = tpu.memref_squeeze %dma_start3A_562 : memref<1x64x128xf32, #tpu.memory_space<hbm>> -> memref<64x128xf32, #tpu.memory_space<hbm>>
      %dma_start3A_564 = arith.constant 0 : i32
      %dma_start3A_565 = tpu.memref_slice %arg4[%shift_right_arithmetic3A_556, %mul3A_560, %dma_start3A_564] : memref<199x1024x128xf32, #tpu.memory_space<hbm>> -> memref<1x64x128xf32, #tpu.memory_space<hbm>>
      %dma_start3A_566 = tpu.memref_squeeze %dma_start3A_565 : memref<1x64x128xf32, #tpu.memory_space<hbm>> -> memref<64x128xf32, #tpu.memory_space<hbm>>
      tpu.enqueue_dma source(%arg12 : memref<64x128xf32, #tpu.memory_space<vmem>>) target(%dma_start3A_566 : memref<64x128xf32, #tpu.memory_space<hbm>>) target_semaphore(%arg32 : memref<!tpu.dma_semaphore, #tpu.memory_space<semaphore_mem>>)
      %mul3A_567 = arith.constant 10 : i32
      %mul3A_568 = arith.muli %scan3A_210, %mul3A_567 : i32
      %add3A_569 = arith.constant 7 : i32
      %add3A_570 = arith.addi %mul3A_568, %add3A_569 : i32
      %dma_wait3A_571 = arith.constant 0 : i32
      %dma_wait3A_572 = tpu.memref_slice %arg5[%add3A_570, %dma_wait3A_571] : memref<100x64xi32, #tpu.memory_space<vmem>> -> memref<1x64xi32, #tpu.memory_space<vmem>>
      %dma_wait3A_573 = tpu.memref_squeeze %dma_wait3A_572 : memref<1x64xi32, #tpu.memory_space<vmem>> -> memref<64xi32, #tpu.memory_space<vmem>>
      %dma_wait3A_574 = arith.constant 0 : i32
      %dma_wait3A_575 = arith.constant 0 : i32
      %dma_wait3A_576 = tpu.memref_slice %arg3[%dma_wait3A_574, %dma_wait3A_575] : memref<100000x128xf32, #tpu.memory_space<hbm>> -> memref<100000x128xf32, #tpu.memory_space<hbm>>
      tpu.wait_indirect_dma semaphore(%arg23 : memref<!tpu.dma_semaphore, #tpu.memory_space<semaphore_mem>>) src(%dma_wait3A_576 : memref<100000x128xf32, #tpu.memory_space<hbm>>) dst(%arg13 : memref<64x128xf32, #tpu.memory_space<vmem>>)
      %mul3A_577 = arith.constant 100 : i32
      %mul3A_578 = arith.muli %add3A, %mul3A_577 : i32
      %add3A_579 = arith.addi %mul3A_578, %add3A_570 : i32
      %lt3A_580 = arith.constant 3184 : i32
      %lt3A_581 = arith.cmpi slt, %add3A_579, %lt3A_580 : i32
      %sub3A_582 = arith.constant 3184 : i32
      %sub3A_583 = arith.subi %add3A_579, %sub3A_582 : i32
      %select_n3A_584 = arith.select %lt3A_581, %add3A_579, %sub3A_583 : i32
      %shift_right_arithmetic3A_585 = arith.constant 4 : i32
      %shift_right_arithmetic3A_586 = arith.shrsi %select_n3A_584, %shift_right_arithmetic3A_585 : i32
      %and3A_587 = arith.constant 15 : i32
      %and3A_588 = arith.andi %select_n3A_584, %and3A_587 : i32
      %mul3A_589 = arith.constant 64 : i32
      %mul3A_590 = arith.muli %and3A_588, %mul3A_589 : i32
      %dma_start3A_591 = arith.constant 0 : i32
      %dma_start3A_592 = tpu.memref_slice %arg4[%shift_right_arithmetic3A_586, %mul3A_590, %dma_start3A_591] : memref<199x1024x128xf32, #tpu.memory_space<hbm>> -> memref<1x64x128xf32, #tpu.memory_space<hbm>>
      %dma_start3A_593 = tpu.memref_squeeze %dma_start3A_592 : memref<1x64x128xf32, #tpu.memory_space<hbm>> -> memref<64x128xf32, #tpu.memory_space<hbm>>
      %dma_start3A_594 = arith.constant 0 : i32
      %dma_start3A_595 = tpu.memref_slice %arg4[%shift_right_arithmetic3A_586, %mul3A_590, %dma_start3A_594] : memref<199x1024x128xf32, #tpu.memory_space<hbm>> -> memref<1x64x128xf32, #tpu.memory_space<hbm>>
      %dma_start3A_596 = tpu.memref_squeeze %dma_start3A_595 : memref<1x64x128xf32, #tpu.memory_space<hbm>> -> memref<64x128xf32, #tpu.memory_space<hbm>>
      tpu.enqueue_dma source(%arg13 : memref<64x128xf32, #tpu.memory_space<vmem>>) target(%dma_start3A_596 : memref<64x128xf32, #tpu.memory_space<hbm>>) target_semaphore(%arg33 : memref<!tpu.dma_semaphore, #tpu.memory_space<semaphore_mem>>)
      %mul3A_597 = arith.constant 10 : i32
      %mul3A_598 = arith.muli %scan3A_210, %mul3A_597 : i32
      %add3A_599 = arith.constant 8 : i32
      %add3A_600 = arith.addi %mul3A_598, %add3A_599 : i32
      %dma_wait3A_601 = arith.constant 0 : i32
      %dma_wait3A_602 = tpu.memref_slice %arg5[%add3A_600, %dma_wait3A_601] : memref<100x64xi32, #tpu.memory_space<vmem>> -> memref<1x64xi32, #tpu.memory_space<vmem>>
      %dma_wait3A_603 = tpu.memref_squeeze %dma_wait3A_602 : memref<1x64xi32, #tpu.memory_space<vmem>> -> memref<64xi32, #tpu.memory_space<vmem>>
      %dma_wait3A_604 = arith.constant 0 : i32
      %dma_wait3A_605 = arith.constant 0 : i32
      %dma_wait3A_606 = tpu.memref_slice %arg3[%dma_wait3A_604, %dma_wait3A_605] : memref<100000x128xf32, #tpu.memory_space<hbm>> -> memref<100000x128xf32, #tpu.memory_space<hbm>>
      tpu.wait_indirect_dma semaphore(%arg24 : memref<!tpu.dma_semaphore, #tpu.memory_space<semaphore_mem>>) src(%dma_wait3A_606 : memref<100000x128xf32, #tpu.memory_space<hbm>>) dst(%arg14 : memref<64x128xf32, #tpu.memory_space<vmem>>)
      %mul3A_607 = arith.constant 100 : i32
      %mul3A_608 = arith.muli %add3A, %mul3A_607 : i32
      %add3A_609 = arith.addi %mul3A_608, %add3A_600 : i32
      %lt3A_610 = arith.constant 3184 : i32
      %lt3A_611 = arith.cmpi slt, %add3A_609, %lt3A_610 : i32
      %sub3A_612 = arith.constant 3184 : i32
      %sub3A_613 = arith.subi %add3A_609, %sub3A_612 : i32
      %select_n3A_614 = arith.select %lt3A_611, %add3A_609, %sub3A_613 : i32
      %shift_right_arithmetic3A_615 = arith.constant 4 : i32
      %shift_right_arithmetic3A_616 = arith.shrsi %select_n3A_614, %shift_right_arithmetic3A_615 : i32
      %and3A_617 = arith.constant 15 : i32
      %and3A_618 = arith.andi %select_n3A_614, %and3A_617 : i32
      %mul3A_619 = arith.constant 64 : i32
      %mul3A_620 = arith.muli %and3A_618, %mul3A_619 : i32
      %dma_start3A_621 = arith.constant 0 : i32
      %dma_start3A_622 = tpu.memref_slice %arg4[%shift_right_arithmetic3A_616, %mul3A_620, %dma_start3A_621] : memref<199x1024x128xf32, #tpu.memory_space<hbm>> -> memref<1x64x128xf32, #tpu.memory_space<hbm>>
      %dma_start3A_623 = tpu.memref_squeeze %dma_start3A_622 : memref<1x64x128xf32, #tpu.memory_space<hbm>> -> memref<64x128xf32, #tpu.memory_space<hbm>>
      %dma_start3A_624 = arith.constant 0 : i32
      %dma_start3A_625 = tpu.memref_slice %arg4[%shift_right_arithmetic3A_616, %mul3A_620, %dma_start3A_624] : memref<199x1024x128xf32, #tpu.memory_space<hbm>> -> memref<1x64x128xf32, #tpu.memory_space<hbm>>
      %dma_start3A_626 = tpu.memref_squeeze %dma_start3A_625 : memref<1x64x128xf32, #tpu.memory_space<hbm>> -> memref<64x128xf32, #tpu.memory_space<hbm>>
      tpu.enqueue_dma source(%arg14 : memref<64x128xf32, #tpu.memory_space<vmem>>) target(%dma_start3A_626 : memref<64x128xf32, #tpu.memory_space<hbm>>) target_semaphore(%arg34 : memref<!tpu.dma_semaphore, #tpu.memory_space<semaphore_mem>>)
      %mul3A_627 = arith.constant 10 : i32
      %mul3A_628 = arith.muli %scan3A_210, %mul3A_627 : i32
      %add3A_629 = arith.constant 9 : i32
      %add3A_630 = arith.addi %mul3A_628, %add3A_629 : i32
      %dma_wait3A_631 = arith.constant 0 : i32
      %dma_wait3A_632 = tpu.memref_slice %arg5[%add3A_630, %dma_wait3A_631] : memref<100x64xi32, #tpu.memory_space<vmem>> -> memref<1x64xi32, #tpu.memory_space<vmem>>
      %dma_wait3A_633 = tpu.memref_squeeze %dma_wait3A_632 : memref<1x64xi32, #tpu.memory_space<vmem>> -> memref<64xi32, #tpu.memory_space<vmem>>
      %dma_wait3A_634 = arith.constant 0 : i32
      %dma_wait3A_635 = arith.constant 0 : i32
      %dma_wait3A_636 = tpu.memref_slice %arg3[%dma_wait3A_634, %dma_wait3A_635] : memref<100000x128xf32, #tpu.memory_space<hbm>> -> memref<100000x128xf32, #tpu.memory_space<hbm>>
      tpu.wait_indirect_dma semaphore(%arg25 : memref<!tpu.dma_semaphore, #tpu.memory_space<semaphore_mem>>) src(%dma_wait3A_636 : memref<100000x128xf32, #tpu.memory_space<hbm>>) dst(%arg15 : memref<64x128xf32, #tpu.memory_space<vmem>>)
      %mul3A_637 = arith.constant 100 : i32
      %mul3A_638 = arith.muli %add3A, %mul3A_637 : i32
      %add3A_639 = arith.addi %mul3A_638, %add3A_630 : i32
      %lt3A_640 = arith.constant 3184 : i32
      %lt3A_641 = arith.cmpi slt, %add3A_639, %lt3A_640 : i32
      %sub3A_642 = arith.constant 3184 : i32
      %sub3A_643 = arith.subi %add3A_639, %sub3A_642 : i32
      %select_n3A_644 = arith.select %lt3A_641, %add3A_639, %sub3A_643 : i32
      %shift_right_arithmetic3A_645 = arith.constant 4 : i32
      %shift_right_arithmetic3A_646 = arith.shrsi %select_n3A_644, %shift_right_arithmetic3A_645 : i32
      %and3A_647 = arith.constant 15 : i32
      %and3A_648 = arith.andi %select_n3A_644, %and3A_647 : i32
      %mul3A_649 = arith.constant 64 : i32
      %mul3A_650 = arith.muli %and3A_648, %mul3A_649 : i32
      %dma_start3A_651 = arith.constant 0 : i32
      %dma_start3A_652 = tpu.memref_slice %arg4[%shift_right_arithmetic3A_646, %mul3A_650, %dma_start3A_651] : memref<199x1024x128xf32, #tpu.memory_space<hbm>> -> memref<1x64x128xf32, #tpu.memory_space<hbm>>
      %dma_start3A_653 = tpu.memref_squeeze %dma_start3A_652 : memref<1x64x128xf32, #tpu.memory_space<hbm>> -> memref<64x128xf32, #tpu.memory_space<hbm>>
      %dma_start3A_654 = arith.constant 0 : i32
      %dma_start3A_655 = tpu.memref_slice %arg4[%shift_right_arithmetic3A_646, %mul3A_650, %dma_start3A_654] : memref<199x1024x128xf32, #tpu.memory_space<hbm>> -> memref<1x64x128xf32, #tpu.memory_space<hbm>>
      %dma_start3A_656 = tpu.memref_squeeze %dma_start3A_655 : memref<1x64x128xf32, #tpu.memory_space<hbm>> -> memref<64x128xf32, #tpu.memory_space<hbm>>
      tpu.enqueue_dma source(%arg15 : memref<64x128xf32, #tpu.memory_space<vmem>>) target(%dma_start3A_656 : memref<64x128xf32, #tpu.memory_space<hbm>>) target_semaphore(%arg35 : memref<!tpu.dma_semaphore, #tpu.memory_space<semaphore_mem>>)
    }
    %scan3A_5 = arith.constant 10 : i32
    %mul3A_6 = arith.constant 100 : i32
    %mul3A_7 = arith.muli %add3A, %mul3A_6 : i32
    %add3A_8 = arith.constant 90 : i32
    %add3A_9 = arith.addi %mul3A_7, %add3A_8 : i32
    %lt3A = arith.constant 3184 : i32
    %lt3A_10 = arith.cmpi slt, %add3A_9, %lt3A : i32
    %sub3A = arith.constant 3184 : i32
    %sub3A_11 = arith.subi %add3A_9, %sub3A : i32
    %select_n3A = arith.select %lt3A_10, %add3A_9, %sub3A_11 : i32
    %shift_right_arithmetic3A = arith.constant 4 : i32
    %shift_right_arithmetic3A_12 = arith.shrsi %select_n3A, %shift_right_arithmetic3A : i32
    %and3A = arith.constant 15 : i32
    %and3A_13 = arith.andi %select_n3A, %and3A : i32
    %mul3A_14 = arith.constant 64 : i32
    %mul3A_15 = arith.muli %and3A_13, %mul3A_14 : i32
    %dma_wait3A = arith.constant 0 : i32
    %dma_wait3A_16 = tpu.memref_slice %arg4[%shift_right_arithmetic3A_12, %mul3A_15, %dma_wait3A] : memref<199x1024x128xf32, #tpu.memory_space<hbm>> -> memref<1x64x128xf32, #tpu.memory_space<hbm>>
    %dma_wait3A_17 = tpu.memref_squeeze %dma_wait3A_16 : memref<1x64x128xf32, #tpu.memory_space<hbm>> -> memref<64x128xf32, #tpu.memory_space<hbm>>
    %dma_wait3A_18 = arith.constant 0 : i32
    %dma_wait3A_19 = tpu.memref_slice %arg4[%shift_right_arithmetic3A_12, %mul3A_15, %dma_wait3A_18] : memref<199x1024x128xf32, #tpu.memory_space<hbm>> -> memref<1x64x128xf32, #tpu.memory_space<hbm>>
    %dma_wait3A_20 = tpu.memref_squeeze %dma_wait3A_19 : memref<1x64x128xf32, #tpu.memory_space<hbm>> -> memref<64x128xf32, #tpu.memory_space<hbm>>
    tpu.wait_dma2 semaphore(%arg26 : memref<!tpu.dma_semaphore, #tpu.memory_space<semaphore_mem>>) src(%arg6 : memref<64x128xf32, #tpu.memory_space<vmem>>) dst(%dma_wait3A_20 : memref<64x128xf32, #tpu.memory_space<hbm>>)
    %mul3A_21 = arith.constant 100 : i32
    %mul3A_22 = arith.muli %add3A, %mul3A_21 : i32
    %add3A_23 = arith.constant 91 : i32
    %add3A_24 = arith.addi %mul3A_22, %add3A_23 : i32
    %lt3A_25 = arith.constant 3184 : i32
    %lt3A_26 = arith.cmpi slt, %add3A_24, %lt3A_25 : i32
    %sub3A_27 = arith.constant 3184 : i32
    %sub3A_28 = arith.subi %add3A_24, %sub3A_27 : i32
    %select_n3A_29 = arith.select %lt3A_26, %add3A_24, %sub3A_28 : i32
    %shift_right_arithmetic3A_30 = arith.constant 4 : i32
    %shift_right_arithmetic3A_31 = arith.shrsi %select_n3A_29, %shift_right_arithmetic3A_30 : i32
    %and3A_32 = arith.constant 15 : i32
    %and3A_33 = arith.andi %select_n3A_29, %and3A_32 : i32
    %mul3A_34 = arith.constant 64 : i32
    %mul3A_35 = arith.muli %and3A_33, %mul3A_34 : i32
    %dma_wait3A_36 = arith.constant 0 : i32
    %dma_wait3A_37 = tpu.memref_slice %arg4[%shift_right_arithmetic3A_31, %mul3A_35, %dma_wait3A_36] : memref<199x1024x128xf32, #tpu.memory_space<hbm>> -> memref<1x64x128xf32, #tpu.memory_space<hbm>>
    %dma_wait3A_38 = tpu.memref_squeeze %dma_wait3A_37 : memref<1x64x128xf32, #tpu.memory_space<hbm>> -> memref<64x128xf32, #tpu.memory_space<hbm>>
    %dma_wait3A_39 = arith.constant 0 : i32
    %dma_wait3A_40 = tpu.memref_slice %arg4[%shift_right_arithmetic3A_31, %mul3A_35, %dma_wait3A_39] : memref<199x1024x128xf32, #tpu.memory_space<hbm>> -> memref<1x64x128xf32, #tpu.memory_space<hbm>>
    %dma_wait3A_41 = tpu.memref_squeeze %dma_wait3A_40 : memref<1x64x128xf32, #tpu.memory_space<hbm>> -> memref<64x128xf32, #tpu.memory_space<hbm>>
    tpu.wait_dma2 semaphore(%arg27 : memref<!tpu.dma_semaphore, #tpu.memory_space<semaphore_mem>>) src(%arg7 : memref<64x128xf32, #tpu.memory_space<vmem>>) dst(%dma_wait3A_41 : memref<64x128xf32, #tpu.memory_space<hbm>>)
    %mul3A_42 = arith.constant 100 : i32
    %mul3A_43 = arith.muli %add3A, %mul3A_42 : i32
    %add3A_44 = arith.constant 92 : i32
    %add3A_45 = arith.addi %mul3A_43, %add3A_44 : i32
    %lt3A_46 = arith.constant 3184 : i32
    %lt3A_47 = arith.cmpi slt, %add3A_45, %lt3A_46 : i32
    %sub3A_48 = arith.constant 3184 : i32
    %sub3A_49 = arith.subi %add3A_45, %sub3A_48 : i32
    %select_n3A_50 = arith.select %lt3A_47, %add3A_45, %sub3A_49 : i32
    %shift_right_arithmetic3A_51 = arith.constant 4 : i32
    %shift_right_arithmetic3A_52 = arith.shrsi %select_n3A_50, %shift_right_arithmetic3A_51 : i32
    %and3A_53 = arith.constant 15 : i32
    %and3A_54 = arith.andi %select_n3A_50, %and3A_53 : i32
    %mul3A_55 = arith.constant 64 : i32
    %mul3A_56 = arith.muli %and3A_54, %mul3A_55 : i32
    %dma_wait3A_57 = arith.constant 0 : i32
    %dma_wait3A_58 = tpu.memref_slice %arg4[%shift_right_arithmetic3A_52, %mul3A_56, %dma_wait3A_57] : memref<199x1024x128xf32, #tpu.memory_space<hbm>> -> memref<1x64x128xf32, #tpu.memory_space<hbm>>
    %dma_wait3A_59 = tpu.memref_squeeze %dma_wait3A_58 : memref<1x64x128xf32, #tpu.memory_space<hbm>> -> memref<64x128xf32, #tpu.memory_space<hbm>>
    %dma_wait3A_60 = arith.constant 0 : i32
    %dma_wait3A_61 = tpu.memref_slice %arg4[%shift_right_arithmetic3A_52, %mul3A_56, %dma_wait3A_60] : memref<199x1024x128xf32, #tpu.memory_space<hbm>> -> memref<1x64x128xf32, #tpu.memory_space<hbm>>
    %dma_wait3A_62 = tpu.memref_squeeze %dma_wait3A_61 : memref<1x64x128xf32, #tpu.memory_space<hbm>> -> memref<64x128xf32, #tpu.memory_space<hbm>>
    tpu.wait_dma2 semaphore(%arg28 : memref<!tpu.dma_semaphore, #tpu.memory_space<semaphore_mem>>) src(%arg8 : memref<64x128xf32, #tpu.memory_space<vmem>>) dst(%dma_wait3A_62 : memref<64x128xf32, #tpu.memory_space<hbm>>)
    %mul3A_63 = arith.constant 100 : i32
    %mul3A_64 = arith.muli %add3A, %mul3A_63 : i32
    %add3A_65 = arith.constant 93 : i32
    %add3A_66 = arith.addi %mul3A_64, %add3A_65 : i32
    %lt3A_67 = arith.constant 3184 : i32
    %lt3A_68 = arith.cmpi slt, %add3A_66, %lt3A_67 : i32
    %sub3A_69 = arith.constant 3184 : i32
    %sub3A_70 = arith.subi %add3A_66, %sub3A_69 : i32
    %select_n3A_71 = arith.select %lt3A_68, %add3A_66, %sub3A_70 : i32
    %shift_right_arithmetic3A_72 = arith.constant 4 : i32
    %shift_right_arithmetic3A_73 = arith.shrsi %select_n3A_71, %shift_right_arithmetic3A_72 : i32
    %and3A_74 = arith.constant 15 : i32
    %and3A_75 = arith.andi %select_n3A_71, %and3A_74 : i32
    %mul3A_76 = arith.constant 64 : i32
    %mul3A_77 = arith.muli %and3A_75, %mul3A_76 : i32
    %dma_wait3A_78 = arith.constant 0 : i32
    %dma_wait3A_79 = tpu.memref_slice %arg4[%shift_right_arithmetic3A_73, %mul3A_77, %dma_wait3A_78] : memref<199x1024x128xf32, #tpu.memory_space<hbm>> -> memref<1x64x128xf32, #tpu.memory_space<hbm>>
    %dma_wait3A_80 = tpu.memref_squeeze %dma_wait3A_79 : memref<1x64x128xf32, #tpu.memory_space<hbm>> -> memref<64x128xf32, #tpu.memory_space<hbm>>
    %dma_wait3A_81 = arith.constant 0 : i32
    %dma_wait3A_82 = tpu.memref_slice %arg4[%shift_right_arithmetic3A_73, %mul3A_77, %dma_wait3A_81] : memref<199x1024x128xf32, #tpu.memory_space<hbm>> -> memref<1x64x128xf32, #tpu.memory_space<hbm>>
    %dma_wait3A_83 = tpu.memref_squeeze %dma_wait3A_82 : memref<1x64x128xf32, #tpu.memory_space<hbm>> -> memref<64x128xf32, #tpu.memory_space<hbm>>
    tpu.wait_dma2 semaphore(%arg29 : memref<!tpu.dma_semaphore, #tpu.memory_space<semaphore_mem>>) src(%arg9 : memref<64x128xf32, #tpu.memory_space<vmem>>) dst(%dma_wait3A_83 : memref<64x128xf32, #tpu.memory_space<hbm>>)
    %mul3A_84 = arith.constant 100 : i32
    %mul3A_85 = arith.muli %add3A, %mul3A_84 : i32
    %add3A_86 = arith.constant 94 : i32
    %add3A_87 = arith.addi %mul3A_85, %add3A_86 : i32
    %lt3A_88 = arith.constant 3184 : i32
    %lt3A_89 = arith.cmpi slt, %add3A_87, %lt3A_88 : i32
    %sub3A_90 = arith.constant 3184 : i32
    %sub3A_91 = arith.subi %add3A_87, %sub3A_90 : i32
    %select_n3A_92 = arith.select %lt3A_89, %add3A_87, %sub3A_91 : i32
    %shift_right_arithmetic3A_93 = arith.constant 4 : i32
    %shift_right_arithmetic3A_94 = arith.shrsi %select_n3A_92, %shift_right_arithmetic3A_93 : i32
    %and3A_95 = arith.constant 15 : i32
    %and3A_96 = arith.andi %select_n3A_92, %and3A_95 : i32
    %mul3A_97 = arith.constant 64 : i32
    %mul3A_98 = arith.muli %and3A_96, %mul3A_97 : i32
    %dma_wait3A_99 = arith.constant 0 : i32
    %dma_wait3A_100 = tpu.memref_slice %arg4[%shift_right_arithmetic3A_94, %mul3A_98, %dma_wait3A_99] : memref<199x1024x128xf32, #tpu.memory_space<hbm>> -> memref<1x64x128xf32, #tpu.memory_space<hbm>>
    %dma_wait3A_101 = tpu.memref_squeeze %dma_wait3A_100 : memref<1x64x128xf32, #tpu.memory_space<hbm>> -> memref<64x128xf32, #tpu.memory_space<hbm>>
    %dma_wait3A_102 = arith.constant 0 : i32
    %dma_wait3A_103 = tpu.memref_slice %arg4[%shift_right_arithmetic3A_94, %mul3A_98, %dma_wait3A_102] : memref<199x1024x128xf32, #tpu.memory_space<hbm>> -> memref<1x64x128xf32, #tpu.memory_space<hbm>>
    %dma_wait3A_104 = tpu.memref_squeeze %dma_wait3A_103 : memref<1x64x128xf32, #tpu.memory_space<hbm>> -> memref<64x128xf32, #tpu.memory_space<hbm>>
    tpu.wait_dma2 semaphore(%arg30 : memref<!tpu.dma_semaphore, #tpu.memory_space<semaphore_mem>>) src(%arg10 : memref<64x128xf32, #tpu.memory_space<vmem>>) dst(%dma_wait3A_104 : memref<64x128xf32, #tpu.memory_space<hbm>>)
    %mul3A_105 = arith.constant 100 : i32
    %mul3A_106 = arith.muli %add3A, %mul3A_105 : i32
    %add3A_107 = arith.constant 95 : i32
    %add3A_108 = arith.addi %mul3A_106, %add3A_107 : i32
    %lt3A_109 = arith.constant 3184 : i32
    %lt3A_110 = arith.cmpi slt, %add3A_108, %lt3A_109 : i32
    %sub3A_111 = arith.constant 3184 : i32
    %sub3A_112 = arith.subi %add3A_108, %sub3A_111 : i32
    %select_n3A_113 = arith.select %lt3A_110, %add3A_108, %sub3A_112 : i32
    %shift_right_arithmetic3A_114 = arith.constant 4 : i32
    %shift_right_arithmetic3A_115 = arith.shrsi %select_n3A_113, %shift_right_arithmetic3A_114 : i32
    %and3A_116 = arith.constant 15 : i32
    %and3A_117 = arith.andi %select_n3A_113, %and3A_116 : i32
    %mul3A_118 = arith.constant 64 : i32
    %mul3A_119 = arith.muli %and3A_117, %mul3A_118 : i32
    %dma_wait3A_120 = arith.constant 0 : i32
    %dma_wait3A_121 = tpu.memref_slice %arg4[%shift_right_arithmetic3A_115, %mul3A_119, %dma_wait3A_120] : memref<199x1024x128xf32, #tpu.memory_space<hbm>> -> memref<1x64x128xf32, #tpu.memory_space<hbm>>
    %dma_wait3A_122 = tpu.memref_squeeze %dma_wait3A_121 : memref<1x64x128xf32, #tpu.memory_space<hbm>> -> memref<64x128xf32, #tpu.memory_space<hbm>>
    %dma_wait3A_123 = arith.constant 0 : i32
    %dma_wait3A_124 = tpu.memref_slice %arg4[%shift_right_arithmetic3A_115, %mul3A_119, %dma_wait3A_123] : memref<199x1024x128xf32, #tpu.memory_space<hbm>> -> memref<1x64x128xf32, #tpu.memory_space<hbm>>
    %dma_wait3A_125 = tpu.memref_squeeze %dma_wait3A_124 : memref<1x64x128xf32, #tpu.memory_space<hbm>> -> memref<64x128xf32, #tpu.memory_space<hbm>>
    tpu.wait_dma2 semaphore(%arg31 : memref<!tpu.dma_semaphore, #tpu.memory_space<semaphore_mem>>) src(%arg11 : memref<64x128xf32, #tpu.memory_space<vmem>>) dst(%dma_wait3A_125 : memref<64x128xf32, #tpu.memory_space<hbm>>)
    %mul3A_126 = arith.constant 100 : i32
    %mul3A_127 = arith.muli %add3A, %mul3A_126 : i32
    %add3A_128 = arith.constant 96 : i32
    %add3A_129 = arith.addi %mul3A_127, %add3A_128 : i32
    %lt3A_130 = arith.constant 3184 : i32
    %lt3A_131 = arith.cmpi slt, %add3A_129, %lt3A_130 : i32
    %sub3A_132 = arith.constant 3184 : i32
    %sub3A_133 = arith.subi %add3A_129, %sub3A_132 : i32
    %select_n3A_134 = arith.select %lt3A_131, %add3A_129, %sub3A_133 : i32
    %shift_right_arithmetic3A_135 = arith.constant 4 : i32
    %shift_right_arithmetic3A_136 = arith.shrsi %select_n3A_134, %shift_right_arithmetic3A_135 : i32
    %and3A_137 = arith.constant 15 : i32
    %and3A_138 = arith.andi %select_n3A_134, %and3A_137 : i32
    %mul3A_139 = arith.constant 64 : i32
    %mul3A_140 = arith.muli %and3A_138, %mul3A_139 : i32
    %dma_wait3A_141 = arith.constant 0 : i32
    %dma_wait3A_142 = tpu.memref_slice %arg4[%shift_right_arithmetic3A_136, %mul3A_140, %dma_wait3A_141] : memref<199x1024x128xf32, #tpu.memory_space<hbm>> -> memref<1x64x128xf32, #tpu.memory_space<hbm>>
    %dma_wait3A_143 = tpu.memref_squeeze %dma_wait3A_142 : memref<1x64x128xf32, #tpu.memory_space<hbm>> -> memref<64x128xf32, #tpu.memory_space<hbm>>
    %dma_wait3A_144 = arith.constant 0 : i32
    %dma_wait3A_145 = tpu.memref_slice %arg4[%shift_right_arithmetic3A_136, %mul3A_140, %dma_wait3A_144] : memref<199x1024x128xf32, #tpu.memory_space<hbm>> -> memref<1x64x128xf32, #tpu.memory_space<hbm>>
    %dma_wait3A_146 = tpu.memref_squeeze %dma_wait3A_145 : memref<1x64x128xf32, #tpu.memory_space<hbm>> -> memref<64x128xf32, #tpu.memory_space<hbm>>
    tpu.wait_dma2 semaphore(%arg32 : memref<!tpu.dma_semaphore, #tpu.memory_space<semaphore_mem>>) src(%arg12 : memref<64x128xf32, #tpu.memory_space<vmem>>) dst(%dma_wait3A_146 : memref<64x128xf32, #tpu.memory_space<hbm>>)
    %mul3A_147 = arith.constant 100 : i32
    %mul3A_148 = arith.muli %add3A, %mul3A_147 : i32
    %add3A_149 = arith.constant 97 : i32
    %add3A_150 = arith.addi %mul3A_148, %add3A_149 : i32
    %lt3A_151 = arith.constant 3184 : i32
    %lt3A_152 = arith.cmpi slt, %add3A_150, %lt3A_151 : i32
    %sub3A_153 = arith.constant 3184 : i32
    %sub3A_154 = arith.subi %add3A_150, %sub3A_153 : i32
    %select_n3A_155 = arith.select %lt3A_152, %add3A_150, %sub3A_154 : i32
    %shift_right_arithmetic3A_156 = arith.constant 4 : i32
    %shift_right_arithmetic3A_157 = arith.shrsi %select_n3A_155, %shift_right_arithmetic3A_156 : i32
    %and3A_158 = arith.constant 15 : i32
    %and3A_159 = arith.andi %select_n3A_155, %and3A_158 : i32
    %mul3A_160 = arith.constant 64 : i32
    %mul3A_161 = arith.muli %and3A_159, %mul3A_160 : i32
    %dma_wait3A_162 = arith.constant 0 : i32
    %dma_wait3A_163 = tpu.memref_slice %arg4[%shift_right_arithmetic3A_157, %mul3A_161, %dma_wait3A_162] : memref<199x1024x128xf32, #tpu.memory_space<hbm>> -> memref<1x64x128xf32, #tpu.memory_space<hbm>>
    %dma_wait3A_164 = tpu.memref_squeeze %dma_wait3A_163 : memref<1x64x128xf32, #tpu.memory_space<hbm>> -> memref<64x128xf32, #tpu.memory_space<hbm>>
    %dma_wait3A_165 = arith.constant 0 : i32
    %dma_wait3A_166 = tpu.memref_slice %arg4[%shift_right_arithmetic3A_157, %mul3A_161, %dma_wait3A_165] : memref<199x1024x128xf32, #tpu.memory_space<hbm>> -> memref<1x64x128xf32, #tpu.memory_space<hbm>>
    %dma_wait3A_167 = tpu.memref_squeeze %dma_wait3A_166 : memref<1x64x128xf32, #tpu.memory_space<hbm>> -> memref<64x128xf32, #tpu.memory_space<hbm>>
    tpu.wait_dma2 semaphore(%arg33 : memref<!tpu.dma_semaphore, #tpu.memory_space<semaphore_mem>>) src(%arg13 : memref<64x128xf32, #tpu.memory_space<vmem>>) dst(%dma_wait3A_167 : memref<64x128xf32, #tpu.memory_space<hbm>>)
    %mul3A_168 = arith.constant 100 : i32
    %mul3A_169 = arith.muli %add3A, %mul3A_168 : i32
    %add3A_170 = arith.constant 98 : i32
    %add3A_171 = arith.addi %mul3A_169, %add3A_170 : i32
    %lt3A_172 = arith.constant 3184 : i32
    %lt3A_173 = arith.cmpi slt, %add3A_171, %lt3A_172 : i32
    %sub3A_174 = arith.constant 3184 : i32
    %sub3A_175 = arith.subi %add3A_171, %sub3A_174 : i32
    %select_n3A_176 = arith.select %lt3A_173, %add3A_171, %sub3A_175 : i32
    %shift_right_arithmetic3A_177 = arith.constant 4 : i32
    %shift_right_arithmetic3A_178 = arith.shrsi %select_n3A_176, %shift_right_arithmetic3A_177 : i32
    %and3A_179 = arith.constant 15 : i32
    %and3A_180 = arith.andi %select_n3A_176, %and3A_179 : i32
    %mul3A_181 = arith.constant 64 : i32
    %mul3A_182 = arith.muli %and3A_180, %mul3A_181 : i32
    %dma_wait3A_183 = arith.constant 0 : i32
    %dma_wait3A_184 = tpu.memref_slice %arg4[%shift_right_arithmetic3A_178, %mul3A_182, %dma_wait3A_183] : memref<199x1024x128xf32, #tpu.memory_space<hbm>> -> memref<1x64x128xf32, #tpu.memory_space<hbm>>
    %dma_wait3A_185 = tpu.memref_squeeze %dma_wait3A_184 : memref<1x64x128xf32, #tpu.memory_space<hbm>> -> memref<64x128xf32, #tpu.memory_space<hbm>>
    %dma_wait3A_186 = arith.constant 0 : i32
    %dma_wait3A_187 = tpu.memref_slice %arg4[%shift_right_arithmetic3A_178, %mul3A_182, %dma_wait3A_186] : memref<199x1024x128xf32, #tpu.memory_space<hbm>> -> memref<1x64x128xf32, #tpu.memory_space<hbm>>
    %dma_wait3A_188 = tpu.memref_squeeze %dma_wait3A_187 : memref<1x64x128xf32, #tpu.memory_space<hbm>> -> memref<64x128xf32, #tpu.memory_space<hbm>>
    tpu.wait_dma2 semaphore(%arg34 : memref<!tpu.dma_semaphore, #tpu.memory_space<semaphore_mem>>) src(%arg14 : memref<64x128xf32, #tpu.memory_space<vmem>>) dst(%dma_wait3A_188 : memref<64x128xf32, #tpu.memory_space<hbm>>)
    %mul3A_189 = arith.constant 100 : i32
    %mul3A_190 = arith.muli %add3A, %mul3A_189 : i32
    %add3A_191 = arith.constant 99 : i32
    %add3A_192 = arith.addi %mul3A_190, %add3A_191 : i32
    %lt3A_193 = arith.constant 3184 : i32
    %lt3A_194 = arith.cmpi slt, %add3A_192, %lt3A_193 : i32
    %sub3A_195 = arith.constant 3184 : i32
    %sub3A_196 = arith.subi %add3A_192, %sub3A_195 : i32
    %select_n3A_197 = arith.select %lt3A_194, %add3A_192, %sub3A_196 : i32
    %shift_right_arithmetic3A_198 = arith.constant 4 : i32
    %shift_right_arithmetic3A_199 = arith.shrsi %select_n3A_197, %shift_right_arithmetic3A_198 : i32
    %and3A_200 = arith.constant 15 : i32
    %and3A_201 = arith.andi %select_n3A_197, %and3A_200 : i32
    %mul3A_202 = arith.constant 64 : i32
    %mul3A_203 = arith.muli %and3A_201, %mul3A_202 : i32
    %dma_wait3A_204 = arith.constant 0 : i32
    %dma_wait3A_205 = tpu.memref_slice %arg4[%shift_right_arithmetic3A_199, %mul3A_203, %dma_wait3A_204] : memref<199x1024x128xf32, #tpu.memory_space<hbm>> -> memref<1x64x128xf32, #tpu.memory_space<hbm>>
    %dma_wait3A_206 = tpu.memref_squeeze %dma_wait3A_205 : memref<1x64x128xf32, #tpu.memory_space<hbm>> -> memref<64x128xf32, #tpu.memory_space<hbm>>
    %dma_wait3A_207 = arith.constant 0 : i32
    %dma_wait3A_208 = tpu.memref_slice %arg4[%shift_right_arithmetic3A_199, %mul3A_203, %dma_wait3A_207] : memref<199x1024x128xf32, #tpu.memory_space<hbm>> -> memref<1x64x128xf32, #tpu.memory_space<hbm>>
    %dma_wait3A_209 = tpu.memref_squeeze %dma_wait3A_208 : memref<1x64x128xf32, #tpu.memory_space<hbm>> -> memref<64x128xf32, #tpu.memory_space<hbm>>
    tpu.wait_dma2 semaphore(%arg35 : memref<!tpu.dma_semaphore, #tpu.memory_space<semaphore_mem>>) src(%arg15 : memref<64x128xf32, #tpu.memory_space<vmem>>) dst(%dma_wait3A_209 : memref<64x128xf32, #tpu.memory_space<hbm>>)
    return
  }
}

</mosaic_0001>

<sc_bundles>
// kernel: kernel.3.cloned.1.call-start
scs
__scs_entry_jumppad:
0x0: {  	(pc) =	sbr.rel $0x88, $3  }
0x1: {  	(tag) =	ssettag $0x0;
	lr =	simm.s32 $0x1  }
0x2: {  	[smem:$0x3F9F] =	sst lr;
	_ =	strace $0xD0000000  }
0x3: {  	_ = 	snop  }
0x4: {  	_ = 	snop  }
0x5: {  	_ = 	snop  }
0x6: {  	_ = 	snop  }
0x7: {  	_ = 	snop  }
__scs_overlays_trampoline_lowered:
0x8: {  	[smem:$0x3FAE] =	sst s0  }
0x9: {  	[smem:$0x3FAF] =	sst s1  }
0xa: {  	[smem:$0x3FB0] =	sst s2  }
0xb: {  	[smem:$0x3FB1] =	sst s3  }
0xc: {  	[smem:$0x3FB2] =	sst s4  }
0xd: {  	[smem:$0x3FB3] =	sst s5  }
0xe: {  	[smem:$0x3FB4] =	sst s6  }
0xf: {  	[smem:$0x3FB5] =	sst s7  }
0x10: {  	[smem:$0x3FB6] =	sst s8  }
0x11: {  	[smem:$0x3FB7] =	sst s9;
	s0 =	simm.s32 @!p0 $0x0  }
0x12: {  	s1 =	sld [smem:$0x3F9D];
	s0 =	simm.s32 @p0 $0x1  }
0x13: {  	[smem:$0x3FB8] =	sst s0;
	s0 =	simm.s32 @!p1 $0x0  }
0x14: {  	s2 =	sld [smem:$0x3F9C];
	s0 =	simm.s32 @p1 $0x1  }
0x15: {  	[smem:$0x3FB9] =	sst s0;
	s0 =	simm.s32 @!p2 $0x0  }
0x16: {  	s3 =	sld [smem:$0x3FDB];
	s0 =	simm.s32 @p2 $0x1  }
0x17: {  	s4 =	simm.s32 $0x1BF5;
	[smem:$0x3FBB] =	sst s0  }
0x18: {  	s0 =	sld [smem:$0x3F9E];
	_ =	swait.ge [sflag:s4], $0x0  }
0x19: {  	s7 =	sld [smem:$0x3F9F]  }
0x1a: {  	s8 =	sadd.s32 $0xFFFFE003, lr  }
0x1b: {  	s9 =	sadd.s32 $0xFFFFFEF7, lr;
	s5 =	simm.s32 $0xFFFFFFFF;
	p2 =	slt.u32 s8, $0xFFFFF086  }
0x1c: {  	p1 =	slt.u32 s9, $0xF7A;
	s5 =	simm.s32 @!p2 $0x0  }
0x1d: {  	s5 =	simm.s32 @p1 $0x1;
	p0 =	seq.s32 s7, s2  }
0x1e: {  	s7 =	smul.u32 @!p0 $0xF7A, s2;
	p2 =	seq.s32 @!p0 s5, $0x0  }
0x1f: {  	s9 =	smul.u32 $0xF7A, s1;
	s8 =	simm.s32 @!p0 $0x1BF5;
	p2 =	por !p2, p0  }
0x20: {  	[sflag:s8] =	ssyncset.s32 @!p0 $0xFFFFF086;
	s6 =	sadd.s32 @!p0 s3, s7;
	s7 =	simm.s32 @!p0 $0x108  }
0x21: {  	s3 =	sadd.s32 s3, s9;
	s6 =	sadd.s32 @!p0 $0x88, s6;
	s7 =	simm.s32 @p2 $0x1082  }
0x22: {  	[simem:s7], [sflag:s8] =	dma.local @!p0 [hbm:s6], $0xF7A  }
0x23: {  	s9 =	sor.u32 $0xD0000000, s2;
	s6 =	simm.s32 $0x108;
	_ =	swait.ge @!p0 [sflag:s8], $0x0  }
0x24: {  	s3 =	sadd.s32 $0x88, s3;
	s6 =	simm.s32 @!p1 $0x1082;
	[sflag:s4] =	ssyncset.s32 $0xFFFFF086  }
0x25: {  	[simem:s6], [sflag:s4] =	dma.local [hbm:s3], $0xF7A  }
0x26: {  	[smem:$0x3F9F] =	sst s1;
	(tag) =	ssettag s2;
	_ =	strace s9  }
0x27: {  	s1 =	sld [smem:$0x3FAF]  }
0x28: {  	s2 =	sld [smem:$0x3FB0]  }
0x29: {  	s4 =	sld [smem:$0x3FB2]  }
0x2a: {  	p0 =	seq.s32 s5, $0x0;
	s5 =	sld [smem:$0x3FB3]  }
0x2b: {  	s6 =	sld [smem:$0x3FB4]  }
0x2c: {  	s7 =	sld [smem:$0x3FB5]  }
0x2d: {  	s3 =	simm.s32 $0x108;
	s8 =	sld [smem:$0x3FB6]  }
0x2e: {  	s3 =	simm.s32 @!p0 $0x1082;
	s9 =	sld [smem:$0x3FB7]  }
0x2f: {  	lr =	sadd.s32 s0, s3;
	s0 =	sld [smem:$0x3FAE]  }
0x30: {  	s3 =	sld [smem:$0x3FB1]  }
0x31: {  	[smem:$0x3FBA] =	sst s10  }
0x32: {  	s10 =	sld [smem:$0x3FB8];
	_ =	sdelay $0x3  }
0x33: {  	p0 =	seq.s32 s10, $0x1;
	s10 =	sld [smem:$0x3FBA];
	_ =	sdelay $0x3  }
0x34: {  	[smem:$0x3FBA] =	sst s10  }
0x35: {  	s10 =	sld [smem:$0x3FB9];
	_ =	sdelay $0x3  }
0x36: {  	p1 =	seq.s32 s10, $0x1;
	s10 =	sld [smem:$0x3FBA];
	_ =	sdelay $0x3  }
0x37: {  	[smem:$0x3FBA] =	sst s10  }
0x38: {  	s10 =	sld [smem:$0x3FBB]  }
0x39: {  	_ = 	snop;
	(pc) =	sbr.ind lr, $3  }
0x3a: {  	_ = 	snop  }
0x3b: {  	_ = 	snop  }
0x3c: {  	p2 =	seq.s32 s10, $0x1;
	s10 =	sld [smem:$0x3FBA]  }
0x3d: {  	_ =	shalt  }
0x3e: {  	_ =	shalt  }
0x3f: {  	_ =	shalt  }
0x40: {  	_ =	shalt  }
0x41: {  	_ =	shalt  }
0x42: {  	_ =	shalt  }
0x43: {  	_ =	shalt  }
0x44: {  	_ =	shalt  }
0x45: {  	_ =	shalt  }
0x46: {  	_ =	shalt  }
0x47: {  	_ =	shalt  }
0x48: {  	_ =	shalt  }
0x49: {  	_ =	shalt  }
0x4a: {  	_ =	shalt  }
0x4b: {  	_ =	shalt  }
0x4c: {  	_ =	shalt  }
0x4d: {  	_ =	shalt  }
0x4e: {  	_ =	shalt  }
0x4f: {  	_ =	shalt  }
0x50: {  	_ =	shalt  }
0x51: {  	_ =	shalt  }
0x52: {  	_ =	shalt  }
0x53: {  	_ =	shalt  }
0x54: {  	_ =	shalt  }
0x55: {  	_ =	shalt  }
0x56: {  	_ =	shalt  }
0x57: {  	_ =	shalt  }
0x58: {  	_ =	shalt  }
0x59: {  	_ =	shalt  }
0x5a: {  	_ =	shalt  }
0x5b: {  	_ =	shalt  }
0x5c: {  	_ =	shalt  }
0x5d: {  	_ =	shalt  }
0x5e: {  	_ =	shalt  }
0x5f: {  	_ =	shalt  }
0x60: {  	_ =	shalt  }
0x61: {  	_ =	shalt  }
0x62: {  	_ =	shalt  }
0x63: {  	_ =	shalt  }
0x64: {  	_ =	shalt  }
0x65: {  	_ =	shalt  }
0x66: {  	_ =	shalt  }
0x67: {  	_ =	shalt  }
0x68: {  	_ =	shalt  }
0x69: {  	_ =	shalt  }
0x6a: {  	_ =	shalt  }
0x6b: {  	_ =	shalt  }
0x6c: {  	_ =	shalt  }
0x6d: {  	_ =	shalt  }
0x6e: {  	_ =	shalt  }
0x6f: {  	_ =	shalt  }
0x70: {  	_ =	shalt  }
0x71: {  	_ =	shalt  }
0x72: {  	_ =	shalt  }
0x73: {  	_ =	shalt  }
0x74: {  	_ =	shalt  }
0x75: {  	_ =	shalt  }
0x76: {  	_ =	shalt  }
0x77: {  	_ =	shalt  }
0x78: {  	_ =	shalt  }
0x79: {  	_ =	shalt  }
0x7a: {  	_ =	shalt  }
0x7b: {  	_ =	shalt  }
0x7c: {  	_ =	shalt  }
0x7d: {  	_ =	shalt  }
0x7e: {  	_ =	shalt  }
0x7f: {  	_ =	shalt  }
0x80: {  	_ =	shalt  }
0x81: {  	_ =	shalt  }
0x82: {  	_ =	shalt  }
0x83: {  	_ =	shalt  }
0x84: {  	_ =	shalt  }
0x85: {  	_ =	shalt  }
0x86: {  	_ =	shalt  }
0x87: {  	_ =	shalt  }
.Lfunc_end0:
.L_simem_size_0:
called_computation_lowered:
.L_overlay_start_0:
0x88: {  	s2 =	sld [smem:$0x3FD9]  }
0x89: {  	s3 =	sld [smem:$0x3FFE];
	_ =	sdelay $0x1  }
0x8a: {  	s1 =	srdreg.scid  }
0x8b: {  	s0 =	sand.u32 $0x1, s1  }
0x8c: {  	s17 =	sshll.u32 s0, $0xA;
	s2 =	sadd.s32 s3, s2  }
0x8d: {  	s2 =	sadd.s32 s2, s17  }
0x8e: {  	[smem:$0x3FC6] =	sst s2  }
0x8f: {  	_ = 	snop  }
0x90: {  	s2 =	sld [smem:$0x3FC8]  }
0x91: {  	s18 =	sld [smem:$0x3FD0];
	(tm) =	ssettm $0x1  }
0x92: {  	s4 =	sld [smem:$0x3FFB];
	_ =	sdelay $0x3  }
0x93: {  	_ =	strace s4  }
0x94: {  	s4 =	sld [smem:$0x3FFC];
	_ =	sdelay $0x3  }
0x95: {  	_ =	strace s4  }
0x96: {  	s4 =	sld [smem:$0x3FFD];
	_ =	sdelay $0x3  }
0x97: {  	_ =	strace s4  }
0x98: {  	_ =	strace $0x8FFFFFFF  }
0x99: {  	s19 =	sld [smem:$0x3FDB];
	_ =	sdelay $0x1  }
0x9a: {  	s5 =	simm.s32 $_scs_section_size  }
0x9b: {  	s6 =	simm.s32 $_size__tile_overlayer_lowered;
	s7 =	simm.s32 $_tile_overlayer_lowered  }
0x9c: {  	s22 =	simm.s32 $0x1BFF;
	s21 =	sshll.u32 s7, $0x1;
	s4 =	sadd.s32 s5, s19  }
0x9d: {  	s8 =	simm.s32 $0x0;
	s20 =	sshll.u32 s6, $0x1;
	s6 =	sadd.s32 s21, s4  }
0x9e: {  	[timem:s8], [sflag:s22] =	dma.local [hbm:s6], s20  }
0x9f: {  	_ =	swait.ge [sflag:s22], s20  }
0xa0: {  	s5 =	ssub.s32 $0x0, s20;
	[sflag:s22] =	ssyncset.done $0x0  }
0xa1: {  	[sflag:s22] =	ssyncadd.s32 s5;
	_ =	sdelay $0x1  }
0xa2: {  	s23 =	simm.s32 $0x1B8B  }
0xa3: {  	_ =	swait.ge [sflag:s23], $0x1  }
0xa4: {  	[sflag:s23] =	ssyncset.done $0x0  }
0xa5: {  	s25 =	simm.s32 $0x1B8E;
	s24 =	sld [smem:$0x3FFE];
	[sflag:s23] =	ssyncadd.s32 $0xFFFFFFFF  }
0xa6: {  	s26 =	simm.s32 $execute0_lowered;
	[smem:$0x3FD2] =	sst s25  }
0xa7: {  	s6 =	sshll.u32 s26, $0x1;
	_ =	strace $0x80000046;
	[dreg:$0x1] =	wrdreg $0xFFFFFFFF  }
0xa8: {  	s28 =	simm.s32 $_size_execute0_lowered;
	s4 =	sadd.s32 s4, s6;
	[dreg:$0x0] =	wrdreg $0x0  }
0xa9: {  	s6 =	sshll.u32 s28, $0x1;
	[dreg:$0x2] =	wrdreg s4  }
0xaa: {  	[dreg:$0x3] =	wrdreg s6  }
0xab: {  	[dreg:$0x4] =	wrdreg $0xC0  }
0xac: {  	_ =	task [dreg:s8], $0x5FFFF  }
0xad: {  	[dreg:$0x1] =	wrdreg $0xFFFFFFFF  }
0xae: {  	[dreg:$0x0] =	wrdreg $0x60  }
0xaf: {  	[dreg:$0x2] =	wrdreg s24  }
0xb0: {  	[dreg:$0x3] =	wrdreg s2  }
0xb1: {  	[dreg:$0x4] =	wrdreg s18  }
0xb2: {  	[dreg:$0x5] =	wrdreg $0x9  }
0xb3: {  	_ =	task.clear_ibuf [dreg:s8], $0x6FFFF;
	_ =	strace $0x90000046  }
0xb4: {  	s29 =	simm.s32 $0x9;
	_ =	strace $0x80000048  }
0xb5: {  	_ =	swait.ge [sflag:s29], $0x1  }
0xb6: {  	[sflag:s29] =	ssyncadd.s32 $0xFFFFFFFF  }
0xb7: {  	_ =	strace $0x90000048  }
0xb8: {  	_ =	sfence  }
0xb9: {  	s30 =	sld [smem:$0x0];
	_ =	sdelay $0x2  }
0xba: {  	s31 =	sshll.u32 s1, $0xD;
	s1 =	sshrl.u32 s1, $0x2  }
0xbb: {  	s3 =	sand.u32 $0x4000, s31;
	s1 =	sadd.s32 s1, s30  }
0xbc: {  	s0 =	sor.u32 s3, s0;
	s1 =	sshll.u32 s1, $0x11  }
0xbd: {  	s0 =	sor.u32 s1, s0  }
0xbe: {  	s0 =	sadd.s32 $0x8F2B, s0  }
0xbf: {  	[sflag:s0] =	ssyncadd.remote.s32 $0x1  }
0xc0: {  	_ =	sfence.sel $0xFFFF  }
0xc1: {  	[dreg:$0x0] =	wrdreg $0xFFFFFFFF;
	(pc) =	sbr.abs _section_cstart, $3  }
0xc2: {  	[dreg:$0x1] =	wrdreg $0xFFFFFFFF  }
0xc3: {  	_ =	task.clear_ibuf [dreg:s8], $0x2FFFF;
	_ =	strace $0x9FFFFFFF  }
0xc4: {  	(tm) =	ssettm $0x7FFFFFFF  }
0xc5: {  	_ =	shalt  }
tec
execute0_lowered:
.L_overlay_start_1:
0x0: {  	(tag) =	ssettag $0x1  }
0x1: {  	s0 =	srdreg.scid;
	s1 =	rddreg [dreg:$0x0]  }
0x2: {  	s11 =	stileid.u32;
	s2 =	rddreg [dreg:$0x1]  }
0x3: {  	s4 =	simm.s32 $0x0;
	s12 =	simm.s32 $0x3400;
	s14 =	simm.s32 $0x5400  }
0x4: {  	s16 =	simm.s32 $0x7400;
	s18 =	simm.s32 $0x9400;
	s20 =	simm.s32 $0xB400  }
0x5: {  	s22 =	simm.s32 $0xD400;
	s24 =	simm.s32 $0xF400;
	s15 =	simm.s32 $0x9  }
0x6: {  	s17 =	simm.s32 $0xA;
	s0 =	sand.u32 $0x1, s0;
	s7 =	smul.u32 $0x190000, s11  }
0x7: {  	s3 =	sshll.u32 s11, $0x1;
	[smem:$0x7FF] =	sst s4;
	s11 =	smul.u32 $0xC8, s11  }
0x8: {  	s5 =	sor.u32 s0, s3;
	s8 =	ssub.s32 $0x2, s0;
	s9 =	smul.u32 $0xC8000, s0  }
0x9: {  	s3 =	rddreg [dreg:$0x2];
	s0 =	smul.u32 $0x64, s0;
	s10 =	sshrl.u32 s8, $0x1  }
0xa: {  	_ =	strace $0x80000047;
	s6 =	smul.u32 $0x680, s5;
	s8 =	ssub.s32 s8, s10  }
.Ltmp0:
0xb: {  	s31 =	sadd.s32 s9, s7;
	s0 =	sadd.s32 s0, s11;
	(pc) =	sbr.rel .LBB2_1-.Ltmp0, $4  }
0xc: {  	s11 =	simm.s32 $0x40;
	s7 =	simm.s32 $0x13400;
	[dreg:$0x6] =	wrdreg s31  }
0xd: {  	s10 =	simm.s32 $0x15400;
	s1 =	sadd.s32 s1, s6;
	[dreg:$0x7] =	wrdreg s0  }
0xe: {  	s6 =	smul.u32 $0x64, s5;
	s30 =	smax.u32 s8, $0x1;
	[dreg:$0x4] =	wrdreg s1  }
0xf: {  	s5 =	simm.s32 $0x11400;
	[dreg:$0x5] =	wrdreg s30;
	s1 =	simm.s32 $0x0  }
.LBB2_6:
0x10: {  	s0 =	simm.s32 $0xB  }
0x11: {  	_ =	swait.ge [sflag:s0], $0x2000  }
0x12: {  	[sflag:s0] =	ssyncset.done $0x0  }
0x13: {  	s19 =	simm.s32 $0xC;
	[sflag:s0] =	ssyncadd.s32 $0xFFFFE000  }
0x14: {  	_ =	swait.ge [sflag:s19], $0x2000  }
0x15: {  	[sflag:s19] =	ssyncset.done $0x0  }
0x16: {  	s21 =	simm.s32 $0xD;
	[sflag:s19] =	ssyncadd.s32 $0xFFFFE000  }
0x17: {  	_ =	swait.ge [sflag:s21], $0x2000  }
0x18: {  	[sflag:s21] =	ssyncset.done $0x0  }
0x19: {  	s23 =	simm.s32 $0xE;
	[sflag:s21] =	ssyncadd.s32 $0xFFFFE000  }
0x1a: {  	_ =	swait.ge [sflag:s23], $0x2000  }
0x1b: {  	[sflag:s23] =	ssyncset.done $0x0  }
0x1c: {  	s25 =	simm.s32 $0xF;
	[sflag:s23] =	ssyncadd.s32 $0xFFFFE000  }
0x1d: {  	_ =	swait.ge [sflag:s25], $0x2000  }
0x1e: {  	[sflag:s25] =	ssyncset.done $0x0  }
0x1f: {  	s26 =	simm.s32 $0x10;
	[sflag:s25] =	ssyncadd.s32 $0xFFFFE000  }
0x20: {  	_ =	swait.ge [sflag:s26], $0x2000  }
0x21: {  	[sflag:s26] =	ssyncset.done $0x0  }
0x22: {  	s28 =	simm.s32 $0x11;
	[sflag:s26] =	ssyncadd.s32 $0xFFFFE000  }
0x23: {  	_ =	swait.ge [sflag:s28], $0x2000  }
0x24: {  	[sflag:s28] =	ssyncset.done $0x0  }
0x25: {  	s29 =	simm.s32 $0x12;
	[sflag:s28] =	ssyncadd.s32 $0xFFFFE000  }
0x26: {  	_ =	swait.ge [sflag:s29], $0x2000  }
0x27: {  	[sflag:s29] =	ssyncset.done $0x0  }
0x28: {  	s30 =	simm.s32 $0x13;
	[sflag:s29] =	ssyncadd.s32 $0xFFFFE000  }
0x29: {  	_ =	swait.ge [sflag:s30], $0x2000  }
0x2a: {  	[sflag:s30] =	ssyncset.done $0x0  }
0x2b: {  	s31 =	simm.s32 $0x14;
	[sflag:s30] =	ssyncadd.s32 $0xFFFFE000  }
0x2c: {  	_ =	swait.ge [sflag:s31], $0x2000  }
0x2d: {  	s1 =	rddreg [dreg:$0x8]  }
0x2e: {  	s9 =	rddreg [dreg:$0x5];
	s1 =	sadd.s32 $0x1, s1  }
0x2f: {  	p0 =	sne.s32 s1, s9  }
.Ltmp1:
0x30: {  	_ = 	snop;
	(pc) =	sbr.rel @!p0 .LBB2_7-.Ltmp1, $3  }
0x31: {  	_ =	sdelay $0x1  }
0x32: {  	[sflag:s31] =	ssyncset.done $0x0  }
0x33: {  	[sflag:s31] =	ssyncadd.s32 $0xFFFFE000  }
.LBB2_1:
0x34: {  	[dreg:$0x8] =	wrdreg s1  }
.Ltmp2:
0x35: {  	s9 =	rddreg [dreg:$0x4];
	s31 =	simm.s32 $0x15;
	(pc) =	sbr.rel .LBB2_2-.Ltmp2, $4  }
0x36: {  	[tilespmem:s4], [sflag:$0x15] =	stream.linear.gather [hbm4b:s9+s4], $0x3200, $0x38;
	[tilespmem:$0x17400] =	vst v63  }
0x37: {  	_ =	swait.ge [sflag:s31], $0x3200  }
0x38: {  	s21 =	simm.s32 $0x9;
	[sflag:s31] =	ssyncset.done $0x0  }
0x39: {  	s23 =	simm.s32 $0x0;
	s19 =	rddreg [dreg:$0x6];
	[sflag:s31] =	ssyncadd.s32 $0xFFFFCE00  }
.LBB2_4:
0x3a: {  	s0 =	simm.s32 $0xB  }
0x3b: {  	_ =	swait.ge [sflag:s0], $0x2000  }
0x3c: {  	[sflag:s0] =	ssyncset.done $0x0  }
0x3d: {  	[sflag:s0] =	ssyncadd.s32 $0xFFFFE000  }
0x3e: {  	[tilespmem:s12], [sflag:$0x1] =	stream.indirect.gather [hbm4b:s2+s11], $0x80, s23, s11, $0xb8;
	[tilespmem:$0x17400] =	vst v63  }
0x3f: {  	s12 =	simm.s32 $0xC  }
0x40: {  	_ =	swait.ge [sflag:s12], $0x2000  }
0x41: {  	[sflag:s12] =	ssyncset.done $0x0  }
0x42: {  	s9 =	sadd.s32 $0x80, s23;
	s13 =	simm.s32 $0xD;
	[sflag:s12] =	ssyncadd.s32 $0xFFFFE000  }
0x43: {  	[tilespmem:s14], [sflag:$0x2] =	stream.indirect.gather [hbm4b:s2+s11], $0x80, s9, s11, $0xb8;
	[tilespmem:$0x17400] =	vst v63  }
0x44: {  	_ =	swait.ge [sflag:s13], $0x2000  }
0x45: {  	[sflag:s13] =	ssyncset.done $0x0  }
0x46: {  	s14 =	sadd.s32 $0x100, s23;
	[sflag:s13] =	ssyncadd.s32 $0xFFFFE000  }
0x47: {  	[tilespmem:s16], [sflag:$0x3] =	stream.indirect.gather [hbm4b:s2+s11], $0x80, s14, s11, $0xb8;
	[tilespmem:$0x17400] =	vst v63  }
0x48: {  	s16 =	simm.s32 $0xE  }
0x49: {  	_ =	swait.ge [sflag:s16], $0x2000  }
0x4a: {  	[sflag:s16] =	ssyncset.done $0x0  }
0x4b: {  	s25 =	sadd.s32 $0x180, s23;
	s26 =	simm.s32 $0xF;
	[sflag:s16] =	ssyncadd.s32 $0xFFFFE000  }
0x4c: {  	[tilespmem:s18], [sflag:$0x4] =	stream.indirect.gather [hbm4b:s2+s11], $0x80, s25, s11, $0xb8;
	[tilespmem:$0x17400] =	vst v63  }
0x4d: {  	_ =	swait.ge [sflag:s26], $0x2000  }
0x4e: {  	[sflag:s26] =	ssyncset.done $0x0  }
0x4f: {  	s1 =	simm.s32 $0x10;
	s0 =	sadd.s32 $0x200, s23;
	[sflag:s26] =	ssyncadd.s32 $0xFFFFE000  }
0x50: {  	[tilespmem:s20], [sflag:$0x5] =	stream.indirect.gather [hbm4b:s2+s11], $0x80, s0, s11, $0xb8;
	[tilespmem:$0x17400] =	vst v63  }
0x51: {  	_ =	swait.ge [sflag:s1], $0x2000  }
0x52: {  	[sflag:s1] =	ssyncset.done $0x0  }
0x53: {  	s8 =	sadd.s32 $0x280, s23;
	s12 =	simm.s32 $0x11;
	[sflag:s1] =	ssyncadd.s32 $0xFFFFE000  }
0x54: {  	[tilespmem:s22], [sflag:$0x6] =	stream.indirect.gather [hbm4b:s2+s11], $0x80, s8, s11, $0xb8;
	[tilespmem:$0x17400] =	vst v63  }
0x55: {  	s30 =	simm.s32 $0x7400;
	s31 =	simm.s32 $0x9400;
	_ =	swait.ge [sflag:s12], $0x2000  }
0x56: {  	s28 =	sadd.s32 $0xFFFFFFFF, s21;
	s29 =	simm.s32 $0x5400;
	[sflag:s12] =	ssyncset.done $0x0  }
0x57: {  	s13 =	sadd.s32 $0x300, s23;
	s14 =	simm.s32 $0x12;
	[sflag:s12] =	ssyncadd.s32 $0xFFFFE000  }
0x58: {  	[tilespmem:s24], [sflag:$0x7] =	stream.indirect.gather [hbm4b:s2+s11], $0x80, s13, s11, $0xb8;
	[tilespmem:$0x17400] =	vst v63  }
0x59: {  	s9 =	sadd.s32 $0xFFFFFFFE, s21;
	s16 =	sadd.s32 $0x380, s23;
	_ =	swait.ge [sflag:s14], $0x2000  }
0x5a: {  	s18 =	simm.s32 $0x13;
	s25 =	simm.s32 $0x14;
	[sflag:s14] =	ssyncset.done $0x0  }
0x5b: {  	s26 =	simm.s32 $0x3400;
	s0 =	simm.s32 $0xD400;
	[sflag:s14] =	ssyncadd.s32 $0xFFFFE000  }
0x5c: {  	[tilespmem:s5], [sflag:$0x8] =	stream.indirect.gather [hbm4b:s2+s11], $0x80, s16, s11, $0xb8;
	[tilespmem:$0x17400] =	vst v63  }
0x5d: {  	s20 =	sadd.s32 $0xFFFFFFF9, s21;
	s1 =	simm.s32 $0xB400;
	_ =	swait.ge [sflag:s18], $0x2000  }
0x5e: {  	s22 =	sadd.s32 $0xFFFFFFF8, s21;
	s8 =	simm.s32 $0x13400;
	[sflag:s18] =	ssyncset.done $0x0  }
0x5f: {  	s12 =	sadd.s32 $0xFFFFFFFD, s21;
	s24 =	sadd.s32 $0x400, s23;
	[sflag:s18] =	ssyncadd.s32 $0xFFFFE000  }
0x60: {  	[tilespmem:s7], [sflag:$0x9] =	stream.indirect.gather [hbm4b:s2+s11], $0x80, s24, s11, $0xb8;
	[tilespmem:$0x17400] =	vst v63  }
0x61: {  	s14 =	sadd.s32 $0xFFFFFFFC, s21;
	s16 =	sadd.s32 $0xFFFFFFFB, s21;
	_ =	swait.ge [sflag:s25], $0x2000  }
0x62: {  	s5 =	simm.s32 $0xF400;
	s18 =	sadd.s32 $0xFFFFFFFA, s21;
	[sflag:s25] =	ssyncset.done $0x0  }
0x63: {  	s7 =	simm.s32 $0x11400;
	[sflag:s25] =	ssyncadd.s32 $0xFFFFE000;
	s25 =	smov.u32 s21  }
.LBB2_5:
0x64: {  	s24 =	sshll.u32 s25, $0x7  }
0x65: {  	s13 =	rddreg [dreg:$0x7];
	s24 =	sand.u32 $0x3FFFFF80, s24  }
0x66: {  	[tilespmem:s10], [sflag:$0xA] =	stream.indirect.gather [hbm4b:s2+s11], $0x80, s24, s11, $0xb8;
	[tilespmem:$0x17400] =	vst v63  }
0x67: {  	s24 =	sadd.s32 s21, s13  }
0x68: {  	s24 =	sadd.s32 $0xFFFFFFF7, s24  }
0x69: {  	s13 =	simm.s32 $0x1;
	p0 =	slt.u32 s24, $0xC70;
	s24 =	sadd.s32 $0xFE720000, s19  }
0x6a: {  	_ =	swait.ge [sflag:s13], $0x2000;
	s24 =	smov.u32 @p0 s19  }
0x6b: {  	[sflag:s13] =	ssyncset.done $0x0;
	s24 =	sshrl.u32 s24, $0x3  }
0x6c: {  	s22 =	sadd.s32 s6, s22;
	[sflag:s13] =	ssyncadd.s32 $0xFFFFE000;
	s24 =	sadd.s32 s3, s24  }
0x6d: {  	[hbm4b:s24+s4] =	stream.linear.scatter [tilespmem:s26], [sflag:$0xB], $0x2000, $0x38;
	[tilespmem:$0x17400] =	vst v63  }
0x6e: {  	s24 =	sshll.u32 s22, $0xD  }
0x6f: {  	p0 =	slt.u32 s22, $0xC70;
	s26 =	simm.s32 $0x2;
	s22 =	sadd.s32 $0xFE720000, s24  }
0x70: {  	_ =	swait.ge [sflag:s26], $0x2000;
	s22 =	smov.u32 @p0 s24  }
0x71: {  	[sflag:s26] =	ssyncset.done $0x0;
	s22 =	sshrl.u32 s22, $0x3  }
0x72: {  	s20 =	sadd.s32 s6, s20;
	[sflag:s26] =	ssyncadd.s32 $0xFFFFE000;
	s22 =	sadd.s32 s3, s22  }
0x73: {  	[hbm4b:s22+s4] =	stream.linear.scatter [tilespmem:s29], [sflag:$0xC], $0x2000, $0x38;
	[tilespmem:$0x17400] =	vst v63  }
0x74: {  	s22 =	sshll.u32 s20, $0xD  }
0x75: {  	p0 =	slt.u32 s20, $0xC70;
	s20 =	sadd.s32 $0xFE720000, s22  }
0x76: {  	s29 =	simm.s32 $0x3;
	s20 =	smov.u32 @p0 s22  }
0x77: {  	_ =	swait.ge [sflag:s29], $0x2000;
	s20 =	sshrl.u32 s20, $0x3  }
0x78: {  	[sflag:s29] =	ssyncset.done $0x0;
	s20 =	sand.u32 $0x1FFFF800, s20  }
0x79: {  	s18 =	sadd.s32 s6, s18;
	[sflag:s29] =	ssyncadd.s32 $0xFFFFE000;
	s20 =	sadd.s32 s3, s20  }
0x7a: {  	[hbm4b:s20+s4] =	stream.linear.scatter [tilespmem:s30], [sflag:$0xD], $0x2000, $0x38;
	[tilespmem:$0x17400] =	vst v63  }
0x7b: {  	s20 =	sshll.u32 s18, $0xD  }
0x7c: {  	p0 =	slt.u32 s18, $0xC70;
	s18 =	sadd.s32 $0xFE720000, s20  }
0x7d: {  	s18 =	smov.u32 @p0 s20;
	s20 =	simm.s32 $0x4  }
0x7e: {  	_ =	swait.ge [sflag:s20], $0x2000  }
0x7f: {  	s18 =	sshrl.u32 s18, $0x3;
	[sflag:s20] =	ssyncset.done $0x0  }
0x80: {  	s16 =	sadd.s32 s6, s16;
	s18 =	sadd.s32 s3, s18;
	[sflag:s20] =	ssyncadd.s32 $0xFFFFE000  }
0x81: {  	[hbm4b:s18+s4] =	stream.linear.scatter [tilespmem:s31], [sflag:$0xE], $0x2000, $0x38;
	[tilespmem:$0x17400] =	vst v63  }
0x82: {  	s18 =	sshll.u32 s16, $0xD  }
0x83: {  	p0 =	slt.u32 s16, $0xC70;
	s16 =	sadd.s32 $0xFE720000, s18  }
0x84: {  	s22 =	simm.s32 $0x5;
	s16 =	smov.u32 @p0 s18  }
0x85: {  	_ =	swait.ge [sflag:s22], $0x2000;
	s16 =	sshrl.u32 s16, $0x3  }
0x86: {  	[sflag:s22] =	ssyncset.done $0x0;
	s16 =	sand.u32 $0x1FFFF800, s16  }
0x87: {  	s14 =	sadd.s32 s6, s14;
	[sflag:s22] =	ssyncadd.s32 $0xFFFFE000;
	s16 =	sadd.s32 s3, s16  }
0x88: {  	[hbm4b:s16+s4] =	stream.linear.scatter [tilespmem:s1], [sflag:$0xF], $0x2000, $0x38;
	[tilespmem:$0x17400] =	vst v63  }
0x89: {  	s16 =	sshll.u32 s14, $0xD  }
0x8a: {  	s24 =	simm.s32 $0x6;
	p0 =	slt.u32 s14, $0xC70;
	s14 =	sadd.s32 $0xFE720000, s16  }
0x8b: {  	_ =	swait.ge [sflag:s24], $0x2000;
	s14 =	smov.u32 @p0 s16  }
0x8c: {  	[sflag:s24] =	ssyncset.done $0x0;
	s14 =	sshrl.u32 s14, $0x3  }
0x8d: {  	s12 =	sadd.s32 s6, s12;
	[sflag:s24] =	ssyncadd.s32 $0xFFFFE000;
	s14 =	sadd.s32 s3, s14  }
0x8e: {  	[hbm4b:s14+s4] =	stream.linear.scatter [tilespmem:s0], [sflag:$0x10], $0x2000, $0x38;
	[tilespmem:$0x17400] =	vst v63  }
0x8f: {  	s14 =	sshll.u32 s12, $0xD  }
0x90: {  	p0 =	slt.u32 s12, $0xC70;
	s12 =	sadd.s32 $0xFE720000, s14  }
0x91: {  	s26 =	simm.s32 $0x7;
	s12 =	smov.u32 @p0 s14  }
0x92: {  	_ =	swait.ge [sflag:s26], $0x2000;
	s12 =	sshrl.u32 s12, $0x3  }
0x93: {  	[sflag:s26] =	ssyncset.done $0x0;
	s12 =	sand.u32 $0x1FFFF800, s12  }
0x94: {  	s9 =	sadd.s32 s6, s9;
	[sflag:s26] =	ssyncadd.s32 $0xFFFFE000;
	s12 =	sadd.s32 s3, s12  }
0x95: {  	[hbm4b:s12+s4] =	stream.linear.scatter [tilespmem:s5], [sflag:$0x11], $0x2000, $0x38;
	[tilespmem:$0x17400] =	vst v63  }
0x96: {  	s12 =	sshll.u32 s9, $0xD  }
0x97: {  	s29 =	simm.s32 $0x8;
	p0 =	slt.u32 s9, $0xC70;
	s9 =	sadd.s32 $0xFE720000, s12  }
0x98: {  	_ =	swait.ge [sflag:s29], $0x2000;
	s9 =	smov.u32 @p0 s12  }
0x99: {  	s30 =	sadd.s32 s6, s28;
	[sflag:s29] =	ssyncset.done $0x0;
	s9 =	sshrl.u32 s9, $0x3  }
0x9a: {  	s12 =	sshll.u32 s30, $0xD;
	[sflag:s29] =	ssyncadd.s32 $0xFFFFE000;
	s9 =	sadd.s32 s3, s9  }
0x9b: {  	[hbm4b:s9+s4] =	stream.linear.scatter [tilespmem:s7], [sflag:$0x12], $0x2000, $0x38;
	[tilespmem:$0x17400] =	vst v63  }
0x9c: {  	s23 =	sadd.s32 $0x500, s23;
	p0 =	slt.u32 s30, $0xC70;
	s9 =	sadd.s32 $0xFE720000, s12  }
0x9d: {  	s21 =	sadd.s32 $0xA, s21;
	s19 =	sadd.s32 $0x14000, s19;
	s9 =	smov.u32 @p0 s12  }
0x9e: {  	s20 =	simm.s32 $0xB400;
	_ =	swait.ge [sflag:s15], $0x2000;
	s9 =	sshrl.u32 s9, $0x3  }
0x9f: {  	s31 =	sadd.s32 s6, s25;
	[sflag:s15] =	ssyncset.done $0x0;
	s9 =	sand.u32 $0x1FFFF800, s9  }
0xa0: {  	s12 =	sshll.u32 s31, $0xD;
	[sflag:s15] =	ssyncadd.s32 $0xFFFFE000;
	s9 =	sadd.s32 s3, s9  }
0xa1: {  	[hbm4b:s9+s4] =	stream.linear.scatter [tilespmem:s8], [sflag:$0x13], $0x2000, $0x38;
	[tilespmem:$0x17400] =	vst v63  }
0xa2: {  	s18 =	simm.s32 $0x9400;
	p0 =	slt.u32 s31, $0xC70;
	s9 =	sadd.s32 $0xFE720000, s12  }
0xa3: {  	s22 =	simm.s32 $0xD400;
	s9 =	smov.u32 @p0 s12;
	p0 =	sne.s32 s21, $0x6D  }
.Ltmp3:
0xa4: {  	s16 =	simm.s32 $0x7400;
	s24 =	simm.s32 $0xF400;
	(pc) =	sbr.rel @!p0 .LBB2_6-.Ltmp3, $4  }
0xa5: {  	s14 =	simm.s32 $0x5400;
	s5 =	simm.s32 $0x11400;
	_ =	swait.ge [sflag:s17], $0x2000  }
0xa6: {  	s7 =	simm.s32 $0x13400;
	[sflag:s17] =	ssyncset.done $0x0;
	s9 =	sshrl.u32 s9, $0x3  }
0xa7: {  	s12 =	simm.s32 $0x3400;
	[sflag:s17] =	ssyncadd.s32 $0xFFFFE000;
	s9 =	sadd.s32 s3, s9  }
0xa8: {  	[hbm4b:s9+s4] =	stream.linear.scatter [tilespmem:s10], [sflag:$0x14], $0x2000, $0x38;
	[tilespmem:$0x17400] =	vst v63  }
.LBB2_2:
0xa9: {  	p0 =	sne.s32 s21, $0x9  }
.Ltmp4:
0xaa: {  	_ = 	snop;
	(pc) =	sbr.rel @p0 .LBB2_4-.Ltmp4, $1  }
0xab: {  	_ =	sdelay $0x3  }
0xac: {  	[tilespmem:s12], [sflag:$0x1] =	stream.indirect.gather [hbm4b:s2+s11], $0x80, s4, s11, $0xb8;
	[tilespmem:$0x17400] =	vst v63  }
0xad: {  	s9 =	simm.s32 $0x80;
	s1 =	simm.s32 $0x280;
	s0 =	simm.s32 $0x300  }
0xae: {  	[tilespmem:s14], [sflag:$0x2] =	stream.indirect.gather [hbm4b:s2+s11], $0x80, s9, s11, $0xb8;
	[tilespmem:$0x17400] =	vst v63  }
0xaf: {  	s25 =	simm.s32 $0x380;
	s26 =	simm.s32 $0x400;
	s14 =	simm.s32 $0x100  }
0xb0: {  	[tilespmem:s16], [sflag:$0x3] =	stream.indirect.gather [hbm4b:s2+s11], $0x80, s14, s11, $0xb8;
	[tilespmem:$0x17400] =	vst v63  }
0xb1: {  	s28 =	simm.s32 $0x8;
	s12 =	simm.s32 $0x6;
	s16 =	simm.s32 $0x180  }
0xb2: {  	[tilespmem:s18], [sflag:$0x4] =	stream.indirect.gather [hbm4b:s2+s11], $0x80, s16, s11, $0xb8;
	[tilespmem:$0x17400] =	vst v63  }
0xb3: {  	s31 =	simm.s32 $0x9400;
	s30 =	simm.s32 $0x7400;
	s18 =	simm.s32 $0x200  }
0xb4: {  	[tilespmem:s20], [sflag:$0x5] =	stream.indirect.gather [hbm4b:s2+s11], $0x80, s18, s11, $0xb8;
	[tilespmem:$0x17400] =	vst v63  }
0xb5: {  	s29 =	simm.s32 $0x5400;
	s8 =	simm.s32 $0x13400;
	s9 =	simm.s32 $0x7  }
0xb6: {  	[tilespmem:s22], [sflag:$0x6] =	stream.indirect.gather [hbm4b:s2+s11], $0x80, s1, s11, $0xb8;
	[tilespmem:$0x17400] =	vst v63  }
0xb7: {  	s14 =	simm.s32 $0x5;
	s16 =	simm.s32 $0x4;
	s20 =	simm.s32 $0x2  }
0xb8: {  	[tilespmem:s24], [sflag:$0x7] =	stream.indirect.gather [hbm4b:s2+s11], $0x80, s0, s11, $0xb8;
	[tilespmem:$0x17400] =	vst v63  }
.Ltmp5:
0xb9: {  	s18 =	simm.s32 $0x3;
	s1 =	simm.s32 $0xB400;
	(pc) =	sbr.rel .LBB2_5-.Ltmp5, $4  }
0xba: {  	[tilespmem:s5], [sflag:$0x8] =	stream.indirect.gather [hbm4b:s2+s11], $0x80, s25, s11, $0xb8;
	[tilespmem:$0x17400] =	vst v63  }
0xbb: {  	s22 =	simm.s32 $0x1;
	s0 =	simm.s32 $0xD400;
	s25 =	simm.s32 $0x9  }
0xbc: {  	[tilespmem:s7], [sflag:$0x9] =	stream.indirect.gather [hbm4b:s2+s11], $0x80, s26, s11, $0xb8;
	[tilespmem:$0x17400] =	vst v63  }
0xbd: {  	s5 =	simm.s32 $0xF400;
	s26 =	simm.s32 $0x3400;
	s7 =	simm.s32 $0x11400  }
.LBB2_7:
0xbe: {  	_ =	sfence.sel $0x180000  }
0xbf: {  	[bflag:$0x0] =	sbarrier.arrive $0xFFFF  }
0xc0: {  	_ =	strace $0x90000047  }
0xc1: {  	s0 =	stileid.u32;
	[bflag:$0x2] =	sbarrier.arrive $0xFFFF  }
0xc2: {  	p0 =	sne.s32 s0, $0x0;
	s0 =	rddreg [dreg:$0x3]  }
0xc3: {  	s0 =	sadd.s32 @!p0 $0x100000, s0  }
0xc4: {  	[sflag:s0] =	ssyncadd.tile.s32 @!p0 $0x1;
	_ =	shalt  }
.Lfunc_end2:
_tile_overlayer_lowered:
.L_overlay_start_2:
0xc5: {  	(tag) =	ssettag $0x2  }
0xc6: {  	s0 =	rddreg [dreg:$0x0];
	s2 =	stileid.u32  }
0xc7: {  	s1 =	rddreg [dreg:$0x1];
	p0 =	sne.s32 s2, $0x0  }
0xc8: {  	s3 =	rddreg [dreg:$0x2];
	[bflag:$0x3] =	sbarrier.arrive $0xFFFF;
	s2 =	simm.s32 @!p0 $0x1C15  }
0xc9: {  	[timem:s3], [sflag:s2] =	dma.local @!p0 [hbm:s0], s1  }
0xca: {  	s0 =	simm.s32 @!p0 $0x15  }
0xcb: {  	_ =	swait.ge @!p0 [sflag:s0], s1  }
0xcc: {  	s1 =	ssub.s32 @!p0 $0x0, s1;
	[sflag:s0] =	ssyncset.done @!p0 $0x0  }
0xcd: {  	[sflag:s0] =	ssyncadd.s32 @!p0 s1  }
0xce: {  	[bflag:$0x3] =	sbarrier.arrive $0xFFFF  }
0xcf: {  	_ =	shalt  }

</sc_bundles>
